<compile_context>
chip_gen: v7x
topology: tpu7x:2x2x1
jax: 0.10.2.dev20260603
libtpu: 0.0.44.dev20260713+nightly
codegen_flags: <defaults>
</compile_context>

<pallas_src>
import functools

import jax
import jax.numpy as jnp
from jax import lax
from jax.experimental import pallas as pl
from jax.experimental.pallas import tpu as pltpu
from jax.experimental.pallas import tpu_sc as plsc

_K = 20
_GS = 4
_KG = _K // _GS
_EPS = 1e-3
_R = 512
_R3 = 512
_NC = 2
_NS = 16
_NW = _NC * _NS
_CHL = 128


def _topk_kernel(fr_ref, fc_ref, adj_ref, idx_ref):
    n = adj_ref.shape[2]
    fr = fr_ref[0]
    fc = fc_ref[0]
    a0 = adj_ref[0] * jnp.abs(fr - fc)
    iota = lax.broadcasted_iota(jnp.int32, (1, n), 1)
    kiota = lax.broadcasted_iota(jnp.int32, (1, _K), 1)

    def body(k, carry):
        a, m, idx_acc = carry
        cand = jnp.where(a == m, iota, n)
        j = jnp.min(cand, axis=1, keepdims=True)
        a2 = jnp.where(iota == j, jnp.inf, a)
        m2 = jnp.min(a2, axis=1, keepdims=True)
        idx_acc = jnp.where(kiota == k, j, idx_acc)
        return a2, m2, idx_acc

    m0 = jnp.min(a0, axis=1, keepdims=True)
    idx0 = jnp.zeros((_R, _K), jnp.int32)
    _, _, idx_acc = lax.fori_loop(0, _K, body, (a0, m0, idx0), unroll=_K)
    idx_ref[0] = idx_acc


def _sc_gather_kernel(x_ref, idx_ref, out_ref, table_v, idx_v, rows_v):
    wid = lax.axis_index("s") * _NC + lax.axis_index("c")
    wpb = _NW // x_ref.shape[0]
    b = wid // wpb
    w = wid % wpb
    d = x_ref.shape[2]
    e = idx_v.shape[0]
    pltpu.sync_copy(x_ref.at[b], table_v)
    pltpu.sync_copy(idx_ref.at[b, w], idx_v)
    iota16 = lax.broadcasted_iota(jnp.int32, (16,), 0)

    def body(g, _):
        tv = iota16 + g * 16
        jv = plsc.load_gather(idx_v, [tv])
        iv = tv // _K
        kv = tv - iv * _K
        kgv = kv >> 2
        lbase = (kv & 3) << 4
        for c in range(d):
            cv = jnp.full((16,), c, jnp.int32)
            vals = plsc.load_gather(table_v, [jv, cv])
            plsc.store_scatter(rows_v, [kgv, iv, lbase + cv], vals)
        return 0

    lax.fori_loop(0, e // 16, body, 0)
    npq = e // _K
    pltpu.sync_copy(rows_v, out_ref.at[b, :, pl.ds(w * npq, npq), :])


def _mlp_kernel(x_ref, xg_ref, W1s_ref, c1_ref, W1gbd_ref, W2fbd_ref,
                b2f4_ref, out_ref):
    c = W1s_ref.shape[1]
    S = jnp.dot(x_ref[0], W1s_ref[...],
                preferred_element_type=jnp.float32,
                precision=lax.Precision.HIGHEST) + c1_ref[...]
    S4 = jnp.concatenate([S] * _GS, axis=1)
    W1gbd = W1gbd_ref[...]
    W2fbd = W2fbd_ref[...]
    b2f4 = b2f4_ref[...]
    acc4 = jnp.zeros((_R3, _GS * c), jnp.float32)
    for kg in range(_KG):
        xk = xg_ref[0, kg]
        wj4 = jnp.dot(xk, W1gbd, preferred_element_type=jnp.float32,
                      precision=lax.Precision.HIGHEST)
        h1 = jnp.maximum(S4 + wj4, 0.0)
        h2 = jnp.maximum(
            jnp.dot(h1, W2fbd, preferred_element_type=jnp.float32) + b2f4,
            0.0)
        acc4 = acc4 + h2
    acc = acc4[:, 0:c]
    for g in range(1, _GS):
        acc = acc + acc4[:, g * c:(g + 1) * c]
    out_ref[0] = acc * (1.0 / _K)


def _edge_conv_half(x, adj, W1s, c1, W1gbd, W2fbd, b2f4):
    B, N, D = x.shape
    C = W1s.shape[1]

    f = x[:, :, 0]
    fr = f[:, None, :]
    fc = f[:, :, None]

    idx = pl.pallas_call(
        _topk_kernel,
        grid=(B, N // _R),
        in_specs=[
            pl.BlockSpec((1, 1, N), lambda b, rb: (b, 0, 0)),
            pl.BlockSpec((1, _R, 1), lambda b, rb: (b, rb, 0)),
            pl.BlockSpec((1, _R, N), lambda b, rb: (b, rb, 0)),
        ],
        out_specs=pl.BlockSpec((1, _R, _K), lambda b, rb: (b, rb, 0)),
        out_shape=jax.ShapeDtypeStruct((B, N, _K), jnp.int32),
    )(fr, fc, adj)

    wpb = _NW // B
    e = N * _K // wpb
    idx_w = idx.reshape(B, wpb, e)
    mesh = plsc.VectorSubcoreMesh(core_axis_name="c", subcore_axis_name="s",
                                  num_cores=_NC, num_subcores=_NS)
    sc_gather = functools.partial(
        pl.kernel,
        out_type=jax.ShapeDtypeStruct((B, _KG, N, _GS * D), jnp.float32),
        mesh=mesh,
        compiler_params=pltpu.CompilerParams(
            needs_layout_passes=False, use_tc_tiling_on_sc=False),
        scratch_types=[
            pltpu.VMEM((N, D), jnp.float32),
            pltpu.VMEM((e,), jnp.int32),
            pltpu.VMEM((_KG, e // _K, _GS * D), jnp.float32),
        ],
    )(_sc_gather_kernel)
    xg = sc_gather(x, idx_w)

    out = pl.pallas_call(
        _mlp_kernel,
        grid=(B, N // _R3),
        in_specs=[
            pl.BlockSpec((1, _R3, D), lambda b, rb: (b, rb, 0)),
            pl.BlockSpec((1, _KG, _R3, _GS * D), lambda b, rb: (b, 0, rb, 0)),
            pl.BlockSpec((D, C), lambda b, rb: (0, 0)),
            pl.BlockSpec((1, C), lambda b, rb: (0, 0)),
            pl.BlockSpec((_GS * D, _GS * C), lambda b, rb: (0, 0)),
            pl.BlockSpec((_GS * C, _GS * C), lambda b, rb: (0, 0)),
            pl.BlockSpec((1, _GS * C), lambda b, rb: (0, 0)),
        ],
        out_specs=pl.BlockSpec((1, _R3, C), lambda b, rb: (b, rb, 0)),
        out_shape=jax.ShapeDtypeStruct((B, N, C), jnp.float32),
    )(x, xg, W1s, c1, W1gbd, W2fbd, b2f4)
    return out


def kernel(x, adj, W1, b1, g1, be1, m1, v1, W2, b2, g2, be2, m2, v2):
    B, N, D = x.shape

    sc1 = g1 / jnp.sqrt(v1 + _EPS)
    sc2 = g2 / jnp.sqrt(v2 + _EPS)
    W1a, W1b = W1[:D], W1[D:]
    W1s = (W1a - W1b) * sc1[None, :]
    W1g = W1b * sc1[None, :]
    c1 = ((b1 - m1) * sc1 + be1)[None, :]
    W2f = W2 * sc2[None, :]
    b2f = ((b2 - m2) * sc2 + be2)[None, :]
    eye4 = jnp.eye(_GS, dtype=jnp.float32)
    W1gbd = jnp.kron(eye4, W1g)
    W2fbd = jnp.kron(eye4, W2f)
    b2f4 = jnp.tile(b2f, (1, _GS))

    h = B // 2
    out_a = _edge_conv_half(x[:h], adj[:h], W1s, c1, W1gbd, W2fbd, b2f4)
    out_b = _edge_conv_half(x[h:], adj[h:], W1s, c1, W1gbd, W2fbd, b2f4)
    return jnp.concatenate([out_a, out_b], axis=0)

# --- scband reference (transcript-rebuilt; emitter-appended) ---
"""Pipeline reference for scband-edge-conv-block-20899310862676 (READ-ONLY COPY).

The authoritative reference and input builder live on the scoring server;
editing this copy changes nothing except your own understanding.
"""

import jax, jax.numpy as jnp
import numpy as np

K = 20
EPS = 1e-3


def setup_inputs(seed: int = 0) -> dict:
    key = jax.random.key(seed)
    ks = jax.random.split(key, 4)
    B, N, D, C = 4, 2048, 16, 64
    x = jax.random.normal(ks[0], (B, N, D), dtype=jnp.float32)
    adj = jax.random.uniform(ks[1], (B, N, N), dtype=jnp.float32)
    W1 = jax.random.normal(ks[2], (2 * D, C), dtype=jnp.float32) * 0.05
    b1 = jnp.zeros((C,), jnp.float32)
    g1 = jnp.ones((C,), jnp.float32)
    be1 = jnp.zeros((C,), jnp.float32)
    m1 = jnp.zeros((C,), jnp.float32)
    v1 = jnp.ones((C,), jnp.float32)
    W2 = jax.random.normal(ks[3], (C, C), dtype=jnp.float32) * 0.05
    b2 = jnp.zeros((C,), jnp.float32)
    g2 = jnp.ones((C,), jnp.float32)
    be2 = jnp.zeros((C,), jnp.float32)
    m2 = jnp.zeros((C,), jnp.float32)
    v2 = jnp.ones((C,), jnp.float32)
    return {"x": x, "adj": adj, "W1": W1, "b1": b1, "g1": g1, "be1": be1,
            "m1": m1, "v1": v1, "W2": W2, "b2": b2, "g2": g2, "be2": be2,
            "m2": m2, "v2": v2}


def reference(x, adj, W1, b1, g1, be1, m1, v1, W2, b2, g2, be2, m2, v2):
    # feature = x[:, :, 0]; pairwise |f_j - f_i| weighting of adjacency
    f = x[:, :, 0]
    diff = jnp.abs(f[:, None, :] - f[:, :, None])  # [B, N, N], diff[b,i,j] = |f[b,j]-f[b,i]|
    a = adj * diff
    # knn: top_k of negative adjacency along last axis
    _, nn_idx = jax.lax.top_k(-a, K)  # [B, N, K]
    # gather neighbor features per batch
    knn_fts = jax.vmap(lambda xb, ib: xb[ib])(x, nn_idx)  # [B, N, K, D]
    center = jnp.broadcast_to(x[:, :, None, :], knn_fts.shape)
    edge = jnp.concatenate([center, knn_fts - center], axis=-1)  # [B, N, K, 2D]
    # Conv2D 1x1 + BN (inference mode, Keras defaults) + relu, twice
    h = edge @ W1 + b1
    h = (h - m1) / jnp.sqrt(v1 + EPS) * g1 + be1
    h = jax.nn.relu(h)
    h = h @ W2 + b2
    h = (h - m2) / jnp.sqrt(v2 + EPS) * g2 + be2
    h = jax.nn.relu(h)
    # reduce_mean over neighbor axis, squeeze
    return jnp.mean(h, axis=2)  # [B, N, C]

if __name__ == "__main__":
    import jax
    _d = setup_inputs()
    print(jax.jit(kernel)(*tuple(_d.values())))

</pallas_src>

<mosaic_0001>
#map = affine_map<(d0, d1) -> (0, 0, 0)>
#map1 = affine_map<(d0, d1) -> (0, 0, 0, 0)>
module attributes {stable_mosaic.version = 14 : i64} {
  func.func @_sc_gather_kernel(%arg0: i32, %arg1: i32, %arg2: memref<2x2048x16xf32, #tpu.memory_space<hbm>>, %arg3: memref<2x16x2560xi32, #tpu.memory_space<hbm>>, %arg4: memref<2x5x2048x64xf32, #tpu.memory_space<hbm>>, %arg5: memref<2048x16xf32, #tpu.memory_space<vmem>>, %arg6: memref<2560xi32, #tpu.memory_space<vmem>>, %arg7: memref<5x128x64xf32, #tpu.memory_space<vmem>>) attributes {dimension_semantics = [#tpu.dimension_semantics<core_parallel>, #tpu.dimension_semantics<subcore_parallel>], iteration_bounds = array<i64: 2, 16>, scalar_prefetch = 0 : i64, scratch_operands = 3 : i64, tpu.core_type = #tpu.core_type<sc_vector_subcore>, window_params = [{transform_indices = #map}, {transform_indices = #map}, {transform_indices = #map1}]} {
    %mul3A = arith.constant 2 : i32
    %mul3A_0 = arith.muli %arg1, %mul3A : i32
    %add3A = arith.addi %mul3A_0, %arg0 : i32
    %jit3A = arith.constant 16 : i32
    %div3A = arith.divsi %add3A, %jit3A : i32
    %sign3A = arith.constant 0 : i32
    %sign3A_1 = arith.cmpi sgt, %add3A, %sign3A : i32
    %sign3A_2 = arith.extui %sign3A_1 : i1 to i32
    %sign3A_3 = arith.constant 0 : i32
    %sign3A_4 = arith.cmpi slt, %add3A, %sign3A_3 : i32
    %sign3A_5 = arith.extui %sign3A_4 : i1 to i32
    %sign3A_6 = arith.subi %sign3A_2, %sign3A_5 : i32
    %sign3A_7 = arith.constant 0 : i32
    %sign3A_8 = arith.cmpi sgt, %jit3A, %sign3A_7 : i32
    %sign3A_9 = arith.extui %sign3A_8 : i1 to i32
    %sign3A_10 = arith.constant 0 : i32
    %sign3A_11 = arith.cmpi slt, %jit3A, %sign3A_10 : i32
    %sign3A_12 = arith.extui %sign3A_11 : i1 to i32
    %sign3A_13 = arith.subi %sign3A_9, %sign3A_12 : i32
    %ne3A = arith.cmpi ne, %sign3A_6, %sign3A_13 : i32
    %rem3A = arith.remsi %add3A, %jit3A : i32
    %ne3A_14 = arith.constant 0 : i32
    %ne3A_15 = arith.cmpi ne, %rem3A, %ne3A_14 : i32
    %and3A = arith.andi %ne3A, %ne3A_15 : i1
    %sub3A = arith.constant 1 : i32
    %sub3A_16 = arith.subi %div3A, %sub3A : i32
    %select_n3A = arith.select %and3A, %sub3A_16, %div3A : i32
    %jit3A_17 = arith.constant 16 : i32
    %eq3A = arith.constant 0 : i32
    %eq3A_18 = arith.cmpi eq, %jit3A_17, %eq3A : i32
    %jit3A_19 = arith.constant 1 : i32
    %select_n3A_20 = arith.select %eq3A_18, %jit3A_19, %jit3A_17 : i32
    %rem3A_21 = arith.remsi %add3A, %select_n3A_20 : i32
    %ne3A_22 = arith.constant 0 : i32
    %ne3A_23 = arith.cmpi ne, %rem3A_21, %ne3A_22 : i32
    %lt3A = arith.constant 0 : i32
    %lt3A_24 = arith.cmpi slt, %rem3A_21, %lt3A : i32
    %lt3A_25 = arith.constant 0 : i32
    %lt3A_26 = arith.cmpi slt, %select_n3A_20, %lt3A_25 : i32
    %ne3A_27 = arith.xori %lt3A_24, %lt3A_26 : i1
    %and3A_28 = arith.andi %ne3A_27, %ne3A_23 : i1
    %add3A_29 = arith.addi %rem3A_21, %select_n3A_20 : i32
    %select_n3A_30 = arith.select %and3A_28, %add3A_29, %rem3A_21 : i32
    "tpu.region"() ({
      %run_scoped3A = tpu.sem_alloc : memref<!tpu.dma_semaphore, #tpu.memory_space<semaphore_mem>>
      %dma_start3A = arith.constant 0 : i32
      %dma_start3A_39 = arith.constant 0 : i32
      %dma_start3A_40 = tpu.memref_slice %arg2[%select_n3A, %dma_start3A, %dma_start3A_39] : memref<2x2048x16xf32, #tpu.memory_space<hbm>> -> memref<1x2048x16xf32, #tpu.memory_space<hbm>>
      %dma_start3A_41 = tpu.memref_squeeze %dma_start3A_40 : memref<1x2048x16xf32, #tpu.memory_space<hbm>> -> memref<2048x16xf32, #tpu.memory_space<hbm>>
      %dma_start3A_42 = arith.constant 0 : i32
      %dma_start3A_43 = arith.constant 0 : i32
      %dma_start3A_44 = tpu.memref_slice %arg2[%select_n3A, %dma_start3A_42, %dma_start3A_43] : memref<2x2048x16xf32, #tpu.memory_space<hbm>> -> memref<1x2048x16xf32, #tpu.memory_space<hbm>>
      %dma_start3A_45 = tpu.memref_squeeze %dma_start3A_44 : memref<1x2048x16xf32, #tpu.memory_space<hbm>> -> memref<2048x16xf32, #tpu.memory_space<hbm>>
      tpu.enqueue_dma source(%dma_start3A_45 : memref<2048x16xf32, #tpu.memory_space<hbm>>) target(%arg5 : memref<2048x16xf32, #tpu.memory_space<vmem>>) target_semaphore(%run_scoped3A : memref<!tpu.dma_semaphore, #tpu.memory_space<semaphore_mem>>)
      %dma_wait3A = arith.constant 0 : i32
      %dma_wait3A_46 = arith.constant 0 : i32
      %dma_wait3A_47 = tpu.memref_slice %arg2[%select_n3A, %dma_wait3A, %dma_wait3A_46] : memref<2x2048x16xf32, #tpu.memory_space<hbm>> -> memref<1x2048x16xf32, #tpu.memory_space<hbm>>
      %dma_wait3A_48 = tpu.memref_squeeze %dma_wait3A_47 : memref<1x2048x16xf32, #tpu.memory_space<hbm>> -> memref<2048x16xf32, #tpu.memory_space<hbm>>
      %dma_wait3A_49 = arith.constant 0 : i32
      %dma_wait3A_50 = arith.constant 0 : i32
      %dma_wait3A_51 = tpu.memref_slice %arg2[%select_n3A, %dma_wait3A_49, %dma_wait3A_50] : memref<2x2048x16xf32, #tpu.memory_space<hbm>> -> memref<1x2048x16xf32, #tpu.memory_space<hbm>>
      %dma_wait3A_52 = tpu.memref_squeeze %dma_wait3A_51 : memref<1x2048x16xf32, #tpu.memory_space<hbm>> -> memref<2048x16xf32, #tpu.memory_space<hbm>>
      tpu.wait_dma2 semaphore(%run_scoped3A : memref<!tpu.dma_semaphore, #tpu.memory_space<semaphore_mem>>) src(%dma_wait3A_52 : memref<2048x16xf32, #tpu.memory_space<hbm>>) dst(%arg5 : memref<2048x16xf32, #tpu.memory_space<vmem>>)
      tpu.yield
    }) : () -> ()
    "tpu.region"() ({
      %run_scoped3A = tpu.sem_alloc : memref<!tpu.dma_semaphore, #tpu.memory_space<semaphore_mem>>
      %dma_start3A = arith.constant 0 : i32
      %dma_start3A_39 = tpu.memref_slice %arg3[%select_n3A, %select_n3A_30, %dma_start3A] : memref<2x16x2560xi32, #tpu.memory_space<hbm>> -> memref<1x1x2560xi32, #tpu.memory_space<hbm>>
      %dma_start3A_40 = tpu.memref_squeeze %dma_start3A_39 : memref<1x1x2560xi32, #tpu.memory_space<hbm>> -> memref<2560xi32, #tpu.memory_space<hbm>>
      %dma_start3A_41 = arith.constant 0 : i32
      %dma_start3A_42 = tpu.memref_slice %arg3[%select_n3A, %select_n3A_30, %dma_start3A_41] : memref<2x16x2560xi32, #tpu.memory_space<hbm>> -> memref<1x1x2560xi32, #tpu.memory_space<hbm>>
      %dma_start3A_43 = tpu.memref_squeeze %dma_start3A_42 : memref<1x1x2560xi32, #tpu.memory_space<hbm>> -> memref<2560xi32, #tpu.memory_space<hbm>>
      tpu.enqueue_dma source(%dma_start3A_43 : memref<2560xi32, #tpu.memory_space<hbm>>) target(%arg6 : memref<2560xi32, #tpu.memory_space<vmem>>) target_semaphore(%run_scoped3A : memref<!tpu.dma_semaphore, #tpu.memory_space<semaphore_mem>>)
      %dma_wait3A = arith.constant 0 : i32
      %dma_wait3A_44 = tpu.memref_slice %arg3[%select_n3A, %select_n3A_30, %dma_wait3A] : memref<2x16x2560xi32, #tpu.memory_space<hbm>> -> memref<1x1x2560xi32, #tpu.memory_space<hbm>>
      %dma_wait3A_45 = tpu.memref_squeeze %dma_wait3A_44 : memref<1x1x2560xi32, #tpu.memory_space<hbm>> -> memref<2560xi32, #tpu.memory_space<hbm>>
      %dma_wait3A_46 = arith.constant 0 : i32
      %dma_wait3A_47 = tpu.memref_slice %arg3[%select_n3A, %select_n3A_30, %dma_wait3A_46] : memref<2x16x2560xi32, #tpu.memory_space<hbm>> -> memref<1x1x2560xi32, #tpu.memory_space<hbm>>
      %dma_wait3A_48 = tpu.memref_squeeze %dma_wait3A_47 : memref<1x1x2560xi32, #tpu.memory_space<hbm>> -> memref<2560xi32, #tpu.memory_space<hbm>>
      tpu.wait_dma2 semaphore(%run_scoped3A : memref<!tpu.dma_semaphore, #tpu.memory_space<semaphore_mem>>) src(%dma_wait3A_48 : memref<2560xi32, #tpu.memory_space<hbm>>) dst(%arg6 : memref<2560xi32, #tpu.memory_space<vmem>>)
      tpu.yield
    }) : () -> ()
    %iota3A = tpu.iota {dimensions = array<i32: 0>} : vector<16xi32>
    %scan3A = arith.constant 0 : i32
    %scan3A_31 = arith.constant 0 : i32
    %scan3A_32 = arith.constant 160 : i32
    %scan3A_33 = arith.addi %scan3A_31, %scan3A_32 : i32
    %scan3A_34 = arith.constant 1 : i32
    %scan3A_35 = scf.for %scan3A_39 = %scan3A_31 to %scan3A_33 step %scan3A_34 iter_args(%scan3A_40 = %scan3A) -> (i32)  : i32 {
      %mul3A_41 = arith.constant 16 : i32
      %mul3A_42 = arith.muli %scan3A_39, %mul3A_41 : i32
      %add3A_43 = vector.broadcast %mul3A_42 : i32 to vector<16xi32>
      %add3A_44 = arith.addi %iota3A, %add3A_43 : vector<16xi32>
      %gather3A = tpu.vector_load_idx %arg6[%add3A_44] : memref<2560xi32, #tpu.memory_space<vmem>>[vector<16xi32>], vector<16xi32>,
      %jit3A_45 = arith.constant 20 : i32
      %div3A_46 = vector.broadcast %jit3A_45 : i32 to vector<16xi32>
      %div3A_47 = arith.divsi %add3A_44, %div3A_46 : vector<16xi32>
      %sign3A_48 = arith.constant 0 : i32
      %sign3A_49 = vector.broadcast %sign3A_48 : i32 to vector<16xi32>
      %sign3A_50 = arith.cmpi sgt, %add3A_44, %sign3A_49 : vector<16xi32>
      %sign3A_51 = arith.extui %sign3A_50 : vector<16xi1> to vector<16xi32>
      %sign3A_52 = arith.constant 0 : i32
      %sign3A_53 = vector.broadcast %sign3A_52 : i32 to vector<16xi32>
      %sign3A_54 = arith.cmpi slt, %add3A_44, %sign3A_53 : vector<16xi32>
      %sign3A_55 = arith.extui %sign3A_54 : vector<16xi1> to vector<16xi32>
      %sign3A_56 = arith.subi %sign3A_51, %sign3A_55 : vector<16xi32>
      %sign3A_57 = arith.constant 0 : i32
      %sign3A_58 = arith.cmpi sgt, %jit3A_45, %sign3A_57 : i32
      %sign3A_59 = arith.extui %sign3A_58 : i1 to i32
      %sign3A_60 = arith.constant 0 : i32
      %sign3A_61 = arith.cmpi slt, %jit3A_45, %sign3A_60 : i32
      %sign3A_62 = arith.extui %sign3A_61 : i1 to i32
      %sign3A_63 = arith.subi %sign3A_59, %sign3A_62 : i32
      %ne3A_64 = vector.broadcast %sign3A_63 : i32 to vector<16xi32>
      %ne3A_65 = arith.cmpi ne, %sign3A_56, %ne3A_64 : vector<16xi32>
      %rem3A_66 = vector.broadcast %jit3A_45 : i32 to vector<16xi32>
      %rem3A_67 = arith.remsi %add3A_44, %rem3A_66 : vector<16xi32>
      %ne3A_68 = arith.constant 0 : i32
      %ne3A_69 = vector.broadcast %ne3A_68 : i32 to vector<16xi32>
      %ne3A_70 = arith.cmpi ne, %rem3A_67, %ne3A_69 : vector<16xi32>
      %and3A_71 = arith.andi %ne3A_65, %ne3A_70 : vector<16xi1>
      %sub3A_72 = arith.constant 1 : i32
      %sub3A_73 = vector.broadcast %sub3A_72 : i32 to vector<16xi32>
      %sub3A_74 = arith.subi %div3A_47, %sub3A_73 : vector<16xi32>
      %select_n3A_75 = arith.select %and3A_71, %sub3A_74, %div3A_47 : vector<16xi1>, vector<16xi32>
      %mul3A_76 = arith.constant 20 : i32
      %mul3A_77 = vector.broadcast %mul3A_76 : i32 to vector<16xi32>
      %mul3A_78 = arith.muli %select_n3A_75, %mul3A_77 : vector<16xi32>
      %sub3A_79 = arith.subi %add3A_44, %mul3A_78 : vector<16xi32>
      %shift_right_arithmetic3A = arith.constant 2 : i32
      %shift_right_arithmetic3A_80 = vector.broadcast %shift_right_arithmetic3A : i32 to vector<16xi32>
      %shift_right_arithmetic3A_81 = arith.shrsi %sub3A_79, %shift_right_arithmetic3A_80 : vector<16xi32>
      %and3A_82 = arith.constant 3 : i32
      %and3A_83 = vector.broadcast %and3A_82 : i32 to vector<16xi32>
      %and3A_84 = arith.andi %sub3A_79, %and3A_83 : vector<16xi32>
      %shift_left3A = arith.constant 4 : i32
      %shift_left3A_85 = vector.broadcast %shift_left3A : i32 to vector<16xi32>
      %shift_left3A_86 = arith.shli %and3A_84, %shift_left3A_85 : vector<16xi32>
      %broadcast_in_dim3A = arith.constant 0 : i32
      %broadcast_in_dim3A_87 = vector.broadcast %broadcast_in_dim3A : i32 to vector<16xi32>
      %gather3A_88 = tpu.vector_load_idx %arg5[%gather3A, %broadcast_in_dim3A_87] : memref<2048x16xf32, #tpu.memory_space<vmem>>[vector<16xi32>, vector<16xi32>], vector<16xf32>,
      %add3A_89 = arith.addi %shift_left3A_86, %broadcast_in_dim3A_87 : vector<16xi32>
      tpu.vector_store_idx %arg7[%shift_right_arithmetic3A_81, %select_n3A_75, %add3A_89], %gather3A_88 : memref<5x128x64xf32, #tpu.memory_space<vmem>>[vector<16xi32>, vector<16xi32>, vector<16xi32>], vector<16xf32>,
      %broadcast_in_dim3A_90 = arith.constant 1 : i32
      %broadcast_in_dim3A_91 = vector.broadcast %broadcast_in_dim3A_90 : i32 to vector<16xi32>
      %gather3A_92 = tpu.vector_load_idx %arg5[%gather3A, %broadcast_in_dim3A_91] : memref<2048x16xf32, #tpu.memory_space<vmem>>[vector<16xi32>, vector<16xi32>], vector<16xf32>,
      %add3A_93 = arith.addi %shift_left3A_86, %broadcast_in_dim3A_91 : vector<16xi32>
      tpu.vector_store_idx %arg7[%shift_right_arithmetic3A_81, %select_n3A_75, %add3A_93], %gather3A_92 : memref<5x128x64xf32, #tpu.memory_space<vmem>>[vector<16xi32>, vector<16xi32>, vector<16xi32>], vector<16xf32>,
      %broadcast_in_dim3A_94 = arith.constant 2 : i32
      %broadcast_in_dim3A_95 = vector.broadcast %broadcast_in_dim3A_94 : i32 to vector<16xi32>
      %gather3A_96 = tpu.vector_load_idx %arg5[%gather3A, %broadcast_in_dim3A_95] : memref<2048x16xf32, #tpu.memory_space<vmem>>[vector<16xi32>, vector<16xi32>], vector<16xf32>,
      %add3A_97 = arith.addi %shift_left3A_86, %broadcast_in_dim3A_95 : vector<16xi32>
      tpu.vector_store_idx %arg7[%shift_right_arithmetic3A_81, %select_n3A_75, %add3A_97], %gather3A_96 : memref<5x128x64xf32, #tpu.memory_space<vmem>>[vector<16xi32>, vector<16xi32>, vector<16xi32>], vector<16xf32>,
      %broadcast_in_dim3A_98 = arith.constant 3 : i32
      %broadcast_in_dim3A_99 = vector.broadcast %broadcast_in_dim3A_98 : i32 to vector<16xi32>
      %gather3A_100 = tpu.vector_load_idx %arg5[%gather3A, %broadcast_in_dim3A_99] : memref<2048x16xf32, #tpu.memory_space<vmem>>[vector<16xi32>, vector<16xi32>], vector<16xf32>,
      %add3A_101 = arith.addi %shift_left3A_86, %broadcast_in_dim3A_99 : vector<16xi32>
      tpu.vector_store_idx %arg7[%shift_right_arithmetic3A_81, %select_n3A_75, %add3A_101], %gather3A_100 : memref<5x128x64xf32, #tpu.memory_space<vmem>>[vector<16xi32>, vector<16xi32>, vector<16xi32>], vector<16xf32>,
      %broadcast_in_dim3A_102 = arith.constant 4 : i32
      %broadcast_in_dim3A_103 = vector.broadcast %broadcast_in_dim3A_102 : i32 to vector<16xi32>
      %gather3A_104 = tpu.vector_load_idx %arg5[%gather3A, %broadcast_in_dim3A_103] : memref<2048x16xf32, #tpu.memory_space<vmem>>[vector<16xi32>, vector<16xi32>], vector<16xf32>,
      %add3A_105 = arith.addi %shift_left3A_86, %broadcast_in_dim3A_103 : vector<16xi32>
      tpu.vector_store_idx %arg7[%shift_right_arithmetic3A_81, %select_n3A_75, %add3A_105], %gather3A_104 : memref<5x128x64xf32, #tpu.memory_space<vmem>>[vector<16xi32>, vector<16xi32>, vector<16xi32>], vector<16xf32>,
      %broadcast_in_dim3A_106 = arith.constant 5 : i32
      %broadcast_in_dim3A_107 = vector.broadcast %broadcast_in_dim3A_106 : i32 to vector<16xi32>
      %gather3A_108 = tpu.vector_load_idx %arg5[%gather3A, %broadcast_in_dim3A_107] : memref<2048x16xf32, #tpu.memory_space<vmem>>[vector<16xi32>, vector<16xi32>], vector<16xf32>,
      %add3A_109 = arith.addi %shift_left3A_86, %broadcast_in_dim3A_107 : vector<16xi32>
      tpu.vector_store_idx %arg7[%shift_right_arithmetic3A_81, %select_n3A_75, %add3A_109], %gather3A_108 : memref<5x128x64xf32, #tpu.memory_space<vmem>>[vector<16xi32>, vector<16xi32>, vector<16xi32>], vector<16xf32>,
      %broadcast_in_dim3A_110 = arith.constant 6 : i32
      %broadcast_in_dim3A_111 = vector.broadcast %broadcast_in_dim3A_110 : i32 to vector<16xi32>
      %gather3A_112 = tpu.vector_load_idx %arg5[%gather3A, %broadcast_in_dim3A_111] : memref<2048x16xf32, #tpu.memory_space<vmem>>[vector<16xi32>, vector<16xi32>], vector<16xf32>,
      %add3A_113 = arith.addi %shift_left3A_86, %broadcast_in_dim3A_111 : vector<16xi32>
      tpu.vector_store_idx %arg7[%shift_right_arithmetic3A_81, %select_n3A_75, %add3A_113], %gather3A_112 : memref<5x128x64xf32, #tpu.memory_space<vmem>>[vector<16xi32>, vector<16xi32>, vector<16xi32>], vector<16xf32>,
      %broadcast_in_dim3A_114 = arith.constant 7 : i32
      %broadcast_in_dim3A_115 = vector.broadcast %broadcast_in_dim3A_114 : i32 to vector<16xi32>
      %gather3A_116 = tpu.vector_load_idx %arg5[%gather3A, %broadcast_in_dim3A_115] : memref<2048x16xf32, #tpu.memory_space<vmem>>[vector<16xi32>, vector<16xi32>], vector<16xf32>,
      %add3A_117 = arith.addi %shift_left3A_86, %broadcast_in_dim3A_115 : vector<16xi32>
      tpu.vector_store_idx %arg7[%shift_right_arithmetic3A_81, %select_n3A_75, %add3A_117], %gather3A_116 : memref<5x128x64xf32, #tpu.memory_space<vmem>>[vector<16xi32>, vector<16xi32>, vector<16xi32>], vector<16xf32>,
      %broadcast_in_dim3A_118 = arith.constant 8 : i32
      %broadcast_in_dim3A_119 = vector.broadcast %broadcast_in_dim3A_118 : i32 to vector<16xi32>
      %gather3A_120 = tpu.vector_load_idx %arg5[%gather3A, %broadcast_in_dim3A_119] : memref<2048x16xf32, #tpu.memory_space<vmem>>[vector<16xi32>, vector<16xi32>], vector<16xf32>,
      %add3A_121 = arith.addi %shift_left3A_86, %broadcast_in_dim3A_119 : vector<16xi32>
      tpu.vector_store_idx %arg7[%shift_right_arithmetic3A_81, %select_n3A_75, %add3A_121], %gather3A_120 : memref<5x128x64xf32, #tpu.memory_space<vmem>>[vector<16xi32>, vector<16xi32>, vector<16xi32>], vector<16xf32>,
      %broadcast_in_dim3A_122 = arith.constant 9 : i32
      %broadcast_in_dim3A_123 = vector.broadcast %broadcast_in_dim3A_122 : i32 to vector<16xi32>
      %gather3A_124 = tpu.vector_load_idx %arg5[%gather3A, %broadcast_in_dim3A_123] : memref<2048x16xf32, #tpu.memory_space<vmem>>[vector<16xi32>, vector<16xi32>], vector<16xf32>,
      %add3A_125 = arith.addi %shift_left3A_86, %broadcast_in_dim3A_123 : vector<16xi32>
      tpu.vector_store_idx %arg7[%shift_right_arithmetic3A_81, %select_n3A_75, %add3A_125], %gather3A_124 : memref<5x128x64xf32, #tpu.memory_space<vmem>>[vector<16xi32>, vector<16xi32>, vector<16xi32>], vector<16xf32>,
      %broadcast_in_dim3A_126 = arith.constant 10 : i32
      %broadcast_in_dim3A_127 = vector.broadcast %broadcast_in_dim3A_126 : i32 to vector<16xi32>
      %gather3A_128 = tpu.vector_load_idx %arg5[%gather3A, %broadcast_in_dim3A_127] : memref<2048x16xf32, #tpu.memory_space<vmem>>[vector<16xi32>, vector<16xi32>], vector<16xf32>,
      %add3A_129 = arith.addi %shift_left3A_86, %broadcast_in_dim3A_127 : vector<16xi32>
      tpu.vector_store_idx %arg7[%shift_right_arithmetic3A_81, %select_n3A_75, %add3A_129], %gather3A_128 : memref<5x128x64xf32, #tpu.memory_space<vmem>>[vector<16xi32>, vector<16xi32>, vector<16xi32>], vector<16xf32>,
      %broadcast_in_dim3A_130 = arith.constant 11 : i32
      %broadcast_in_dim3A_131 = vector.broadcast %broadcast_in_dim3A_130 : i32 to vector<16xi32>
      %gather3A_132 = tpu.vector_load_idx %arg5[%gather3A, %broadcast_in_dim3A_131] : memref<2048x16xf32, #tpu.memory_space<vmem>>[vector<16xi32>, vector<16xi32>], vector<16xf32>,
      %add3A_133 = arith.addi %shift_left3A_86, %broadcast_in_dim3A_131 : vector<16xi32>
      tpu.vector_store_idx %arg7[%shift_right_arithmetic3A_81, %select_n3A_75, %add3A_133], %gather3A_132 : memref<5x128x64xf32, #tpu.memory_space<vmem>>[vector<16xi32>, vector<16xi32>, vector<16xi32>], vector<16xf32>,
      %broadcast_in_dim3A_134 = arith.constant 12 : i32
      %broadcast_in_dim3A_135 = vector.broadcast %broadcast_in_dim3A_134 : i32 to vector<16xi32>
      %gather3A_136 = tpu.vector_load_idx %arg5[%gather3A, %broadcast_in_dim3A_135] : memref<2048x16xf32, #tpu.memory_space<vmem>>[vector<16xi32>, vector<16xi32>], vector<16xf32>,
      %add3A_137 = arith.addi %shift_left3A_86, %broadcast_in_dim3A_135 : vector<16xi32>
      tpu.vector_store_idx %arg7[%shift_right_arithmetic3A_81, %select_n3A_75, %add3A_137], %gather3A_136 : memref<5x128x64xf32, #tpu.memory_space<vmem>>[vector<16xi32>, vector<16xi32>, vector<16xi32>], vector<16xf32>,
      %broadcast_in_dim3A_138 = arith.constant 13 : i32
      %broadcast_in_dim3A_139 = vector.broadcast %broadcast_in_dim3A_138 : i32 to vector<16xi32>
      %gather3A_140 = tpu.vector_load_idx %arg5[%gather3A, %broadcast_in_dim3A_139] : memref<2048x16xf32, #tpu.memory_space<vmem>>[vector<16xi32>, vector<16xi32>], vector<16xf32>,
      %add3A_141 = arith.addi %shift_left3A_86, %broadcast_in_dim3A_139 : vector<16xi32>
      tpu.vector_store_idx %arg7[%shift_right_arithmetic3A_81, %select_n3A_75, %add3A_141], %gather3A_140 : memref<5x128x64xf32, #tpu.memory_space<vmem>>[vector<16xi32>, vector<16xi32>, vector<16xi32>], vector<16xf32>,
      %broadcast_in_dim3A_142 = arith.constant 14 : i32
      %broadcast_in_dim3A_143 = vector.broadcast %broadcast_in_dim3A_142 : i32 to vector<16xi32>
      %gather3A_144 = tpu.vector_load_idx %arg5[%gather3A, %broadcast_in_dim3A_143] : memref<2048x16xf32, #tpu.memory_space<vmem>>[vector<16xi32>, vector<16xi32>], vector<16xf32>,
      %add3A_145 = arith.addi %shift_left3A_86, %broadcast_in_dim3A_143 : vector<16xi32>
      tpu.vector_store_idx %arg7[%shift_right_arithmetic3A_81, %select_n3A_75, %add3A_145], %gather3A_144 : memref<5x128x64xf32, #tpu.memory_space<vmem>>[vector<16xi32>, vector<16xi32>, vector<16xi32>], vector<16xf32>,
      %broadcast_in_dim3A_146 = arith.constant 15 : i32
      %broadcast_in_dim3A_147 = vector.broadcast %broadcast_in_dim3A_146 : i32 to vector<16xi32>
      %gather3A_148 = tpu.vector_load_idx %arg5[%gather3A, %broadcast_in_dim3A_147] : memref<2048x16xf32, #tpu.memory_space<vmem>>[vector<16xi32>, vector<16xi32>], vector<16xf32>,
      %add3A_149 = arith.addi %shift_left3A_86, %broadcast_in_dim3A_147 : vector<16xi32>
      tpu.vector_store_idx %arg7[%shift_right_arithmetic3A_81, %select_n3A_75, %add3A_149], %gather3A_148 : memref<5x128x64xf32, #tpu.memory_space<vmem>>[vector<16xi32>, vector<16xi32>, vector<16xi32>], vector<16xf32>,
      %scan3A_150 = arith.constant 0 : i32
      scf.yield %scan3A_150 : i32
    }
    %scan3A_36 = arith.constant 160 : i32
    %mul3A_37 = arith.constant 128 : i32
    %mul3A_38 = arith.muli %select_n3A_30, %mul3A_37 : i32
    "tpu.region"() ({
      %run_scoped3A = tpu.sem_alloc : memref<!tpu.dma_semaphore, #tpu.memory_space<semaphore_mem>>
      %dma_start3A = arith.constant 0 : i32
      %dma_start3A_39 = arith.constant 0 : i32
      %dma_start3A_40 = tpu.memref_slice %arg4[%select_n3A, %dma_start3A, %mul3A_38, %dma_start3A_39] : memref<2x5x2048x64xf32, #tpu.memory_space<hbm>> -> memref<1x5x128x64xf32, #tpu.memory_space<hbm>>
      %dma_start3A_41 = tpu.memref_squeeze %dma_start3A_40 : memref<1x5x128x64xf32, #tpu.memory_space<hbm>> -> memref<5x128x64xf32, #tpu.memory_space<hbm>>
      %dma_start3A_42 = arith.constant 0 : i32
      %dma_start3A_43 = arith.constant 0 : i32
      %dma_start3A_44 = tpu.memref_slice %arg4[%select_n3A, %dma_start3A_42, %mul3A_38, %dma_start3A_43] : memref<2x5x2048x64xf32, #tpu.memory_space<hbm>> -> memref<1x5x128x64xf32, #tpu.memory_space<hbm>>
      %dma_start3A_45 = tpu.memref_squeeze %dma_start3A_44 : memref<1x5x128x64xf32, #tpu.memory_space<hbm>> -> memref<5x128x64xf32, #tpu.memory_space<hbm>>
      tpu.enqueue_dma source(%arg7 : memref<5x128x64xf32, #tpu.memory_space<vmem>>) target(%dma_start3A_45 : memref<5x128x64xf32, #tpu.memory_space<hbm>>) target_semaphore(%run_scoped3A : memref<!tpu.dma_semaphore, #tpu.memory_space<semaphore_mem>>)
      %dma_wait3A = arith.constant 0 : i32
      %dma_wait3A_46 = arith.constant 0 : i32
      %dma_wait3A_47 = tpu.memref_slice %arg4[%select_n3A, %dma_wait3A, %mul3A_38, %dma_wait3A_46] : memref<2x5x2048x64xf32, #tpu.memory_space<hbm>> -> memref<1x5x128x64xf32, #tpu.memory_space<hbm>>
      %dma_wait3A_48 = tpu.memref_squeeze %dma_wait3A_47 : memref<1x5x128x64xf32, #tpu.memory_space<hbm>> -> memref<5x128x64xf32, #tpu.memory_space<hbm>>
      %dma_wait3A_49 = arith.constant 0 : i32
      %dma_wait3A_50 = arith.constant 0 : i32
      %dma_wait3A_51 = tpu.memref_slice %arg4[%select_n3A, %dma_wait3A_49, %mul3A_38, %dma_wait3A_50] : memref<2x5x2048x64xf32, #tpu.memory_space<hbm>> -> memref<1x5x128x64xf32, #tpu.memory_space<hbm>>
      %dma_wait3A_52 = tpu.memref_squeeze %dma_wait3A_51 : memref<1x5x128x64xf32, #tpu.memory_space<hbm>> -> memref<5x128x64xf32, #tpu.memory_space<hbm>>
      tpu.wait_dma2 semaphore(%run_scoped3A : memref<!tpu.dma_semaphore, #tpu.memory_space<semaphore_mem>>) src(%arg7 : memref<5x128x64xf32, #tpu.memory_space<vmem>>) dst(%dma_wait3A_52 : memref<5x128x64xf32, #tpu.memory_space<hbm>>)
      tpu.yield
    }) : () -> ()
    return
  }
}

#map = affine_map<(d0, d1) -> (0, 0, 0)>
#map1 = affine_map<(d0, d1) -> (0, 0, 0, 0)>
module attributes {stable_mosaic.version = 14 : i64} {
  func.func @_sc_gather_kernel(%arg0: i32, %arg1: i32, %arg2: memref<2x2048x16xf32, #tpu.memory_space<hbm>>, %arg3: memref<2x16x2560xi32, #tpu.memory_space<hbm>>, %arg4: memref<2x5x2048x64xf32, #tpu.memory_space<hbm>>, %arg5: memref<2048x16xf32, #tpu.memory_space<vmem>>, %arg6: memref<2560xi32, #tpu.memory_space<vmem>>, %arg7: memref<5x128x64xf32, #tpu.memory_space<vmem>>) attributes {dimension_semantics = [#tpu.dimension_semantics<core_parallel>, #tpu.dimension_semantics<subcore_parallel>], iteration_bounds = array<i64: 2, 16>, scalar_prefetch = 0 : i64, scratch_operands = 3 : i64, tpu.core_type = #tpu.core_type<sc_vector_subcore>, window_params = [{transform_indices = #map}, {transform_indices = #map}, {transform_indices = #map1}]} {
    %mul3A = arith.constant 2 : i32
    %mul3A_0 = arith.muli %arg1, %mul3A : i32
    %add3A = arith.addi %mul3A_0, %arg0 : i32
    %jit3A = arith.constant 16 : i32
    %div3A = arith.divsi %add3A, %jit3A : i32
    %sign3A = arith.constant 0 : i32
    %sign3A_1 = arith.cmpi sgt, %add3A, %sign3A : i32
    %sign3A_2 = arith.extui %sign3A_1 : i1 to i32
    %sign3A_3 = arith.constant 0 : i32
    %sign3A_4 = arith.cmpi slt, %add3A, %sign3A_3 : i32
    %sign3A_5 = arith.extui %sign3A_4 : i1 to i32
    %sign3A_6 = arith.subi %sign3A_2, %sign3A_5 : i32
    %sign3A_7 = arith.constant 0 : i32
    %sign3A_8 = arith.cmpi sgt, %jit3A, %sign3A_7 : i32
    %sign3A_9 = arith.extui %sign3A_8 : i1 to i32
    %sign3A_10 = arith.constant 0 : i32
    %sign3A_11 = arith.cmpi slt, %jit3A, %sign3A_10 : i32
    %sign3A_12 = arith.extui %sign3A_11 : i1 to i32
    %sign3A_13 = arith.subi %sign3A_9, %sign3A_12 : i32
    %ne3A = arith.cmpi ne, %sign3A_6, %sign3A_13 : i32
    %rem3A = arith.remsi %add3A, %jit3A : i32
    %ne3A_14 = arith.constant 0 : i32
    %ne3A_15 = arith.cmpi ne, %rem3A, %ne3A_14 : i32
    %and3A = arith.andi %ne3A, %ne3A_15 : i1
    %sub3A = arith.constant 1 : i32
    %sub3A_16 = arith.subi %div3A, %sub3A : i32
    %select_n3A = arith.select %and3A, %sub3A_16, %div3A : i32
    %jit3A_17 = arith.constant 16 : i32
    %eq3A = arith.constant 0 : i32
    %eq3A_18 = arith.cmpi eq, %jit3A_17, %eq3A : i32
    %jit3A_19 = arith.constant 1 : i32
    %select_n3A_20 = arith.select %eq3A_18, %jit3A_19, %jit3A_17 : i32
    %rem3A_21 = arith.remsi %add3A, %select_n3A_20 : i32
    %ne3A_22 = arith.constant 0 : i32
    %ne3A_23 = arith.cmpi ne, %rem3A_21, %ne3A_22 : i32
    %lt3A = arith.constant 0 : i32
    %lt3A_24 = arith.cmpi slt, %rem3A_21, %lt3A : i32
    %lt3A_25 = arith.constant 0 : i32
    %lt3A_26 = arith.cmpi slt, %select_n3A_20, %lt3A_25 : i32
    %ne3A_27 = arith.xori %lt3A_24, %lt3A_26 : i1
    %and3A_28 = arith.andi %ne3A_27, %ne3A_23 : i1
    %add3A_29 = arith.addi %rem3A_21, %select_n3A_20 : i32
    %select_n3A_30 = arith.select %and3A_28, %add3A_29, %rem3A_21 : i32
    "tpu.region"() ({
      %run_scoped3A = tpu.sem_alloc : memref<!tpu.dma_semaphore, #tpu.memory_space<semaphore_mem>>
      %dma_start3A = arith.constant 0 : i32
      %dma_start3A_39 = arith.constant 0 : i32
      %dma_start3A_40 = tpu.memref_slice %arg2[%select_n3A, %dma_start3A, %dma_start3A_39] : memref<2x2048x16xf32, #tpu.memory_space<hbm>> -> memref<1x2048x16xf32, #tpu.memory_space<hbm>>
      %dma_start3A_41 = tpu.memref_squeeze %dma_start3A_40 : memref<1x2048x16xf32, #tpu.memory_space<hbm>> -> memref<2048x16xf32, #tpu.memory_space<hbm>>
      %dma_start3A_42 = arith.constant 0 : i32
      %dma_start3A_43 = arith.constant 0 : i32
      %dma_start3A_44 = tpu.memref_slice %arg2[%select_n3A, %dma_start3A_42, %dma_start3A_43] : memref<2x2048x16xf32, #tpu.memory_space<hbm>> -> memref<1x2048x16xf32, #tpu.memory_space<hbm>>
      %dma_start3A_45 = tpu.memref_squeeze %dma_start3A_44 : memref<1x2048x16xf32, #tpu.memory_space<hbm>> -> memref<2048x16xf32, #tpu.memory_space<hbm>>
      tpu.enqueue_dma source(%dma_start3A_45 : memref<2048x16xf32, #tpu.memory_space<hbm>>) target(%arg5 : memref<2048x16xf32, #tpu.memory_space<vmem>>) target_semaphore(%run_scoped3A : memref<!tpu.dma_semaphore, #tpu.memory_space<semaphore_mem>>)
      %dma_wait3A = arith.constant 0 : i32
      %dma_wait3A_46 = arith.constant 0 : i32
      %dma_wait3A_47 = tpu.memref_slice %arg2[%select_n3A, %dma_wait3A, %dma_wait3A_46] : memref<2x2048x16xf32, #tpu.memory_space<hbm>> -> memref<1x2048x16xf32, #tpu.memory_space<hbm>>
      %dma_wait3A_48 = tpu.memref_squeeze %dma_wait3A_47 : memref<1x2048x16xf32, #tpu.memory_space<hbm>> -> memref<2048x16xf32, #tpu.memory_space<hbm>>
      %dma_wait3A_49 = arith.constant 0 : i32
      %dma_wait3A_50 = arith.constant 0 : i32
      %dma_wait3A_51 = tpu.memref_slice %arg2[%select_n3A, %dma_wait3A_49, %dma_wait3A_50] : memref<2x2048x16xf32, #tpu.memory_space<hbm>> -> memref<1x2048x16xf32, #tpu.memory_space<hbm>>
      %dma_wait3A_52 = tpu.memref_squeeze %dma_wait3A_51 : memref<1x2048x16xf32, #tpu.memory_space<hbm>> -> memref<2048x16xf32, #tpu.memory_space<hbm>>
      tpu.wait_dma2 semaphore(%run_scoped3A : memref<!tpu.dma_semaphore, #tpu.memory_space<semaphore_mem>>) src(%dma_wait3A_52 : memref<2048x16xf32, #tpu.memory_space<hbm>>) dst(%arg5 : memref<2048x16xf32, #tpu.memory_space<vmem>>)
      tpu.yield
    }) : () -> ()
    "tpu.region"() ({
      %run_scoped3A = tpu.sem_alloc : memref<!tpu.dma_semaphore, #tpu.memory_space<semaphore_mem>>
      %dma_start3A = arith.constant 0 : i32
      %dma_start3A_39 = tpu.memref_slice %arg3[%select_n3A, %select_n3A_30, %dma_start3A] : memref<2x16x2560xi32, #tpu.memory_space<hbm>> -> memref<1x1x2560xi32, #tpu.memory_space<hbm>>
      %dma_start3A_40 = tpu.memref_squeeze %dma_start3A_39 : memref<1x1x2560xi32, #tpu.memory_space<hbm>> -> memref<2560xi32, #tpu.memory_space<hbm>>
      %dma_start3A_41 = arith.constant 0 : i32
      %dma_start3A_42 = tpu.memref_slice %arg3[%select_n3A, %select_n3A_30, %dma_start3A_41] : memref<2x16x2560xi32, #tpu.memory_space<hbm>> -> memref<1x1x2560xi32, #tpu.memory_space<hbm>>
      %dma_start3A_43 = tpu.memref_squeeze %dma_start3A_42 : memref<1x1x2560xi32, #tpu.memory_space<hbm>> -> memref<2560xi32, #tpu.memory_space<hbm>>
      tpu.enqueue_dma source(%dma_start3A_43 : memref<2560xi32, #tpu.memory_space<hbm>>) target(%arg6 : memref<2560xi32, #tpu.memory_space<vmem>>) target_semaphore(%run_scoped3A : memref<!tpu.dma_semaphore, #tpu.memory_space<semaphore_mem>>)
      %dma_wait3A = arith.constant 0 : i32
      %dma_wait3A_44 = tpu.memref_slice %arg3[%select_n3A, %select_n3A_30, %dma_wait3A] : memref<2x16x2560xi32, #tpu.memory_space<hbm>> -> memref<1x1x2560xi32, #tpu.memory_space<hbm>>
      %dma_wait3A_45 = tpu.memref_squeeze %dma_wait3A_44 : memref<1x1x2560xi32, #tpu.memory_space<hbm>> -> memref<2560xi32, #tpu.memory_space<hbm>>
      %dma_wait3A_46 = arith.constant 0 : i32
      %dma_wait3A_47 = tpu.memref_slice %arg3[%select_n3A, %select_n3A_30, %dma_wait3A_46] : memref<2x16x2560xi32, #tpu.memory_space<hbm>> -> memref<1x1x2560xi32, #tpu.memory_space<hbm>>
      %dma_wait3A_48 = tpu.memref_squeeze %dma_wait3A_47 : memref<1x1x2560xi32, #tpu.memory_space<hbm>> -> memref<2560xi32, #tpu.memory_space<hbm>>
      tpu.wait_dma2 semaphore(%run_scoped3A : memref<!tpu.dma_semaphore, #tpu.memory_space<semaphore_mem>>) src(%dma_wait3A_48 : memref<2560xi32, #tpu.memory_space<hbm>>) dst(%arg6 : memref<2560xi32, #tpu.memory_space<vmem>>)
      tpu.yield
    }) : () -> ()
    %iota3A = tpu.iota {dimensions = array<i32: 0>} : vector<16xi32>
    %scan3A = arith.constant 0 : i32
    %scan3A_31 = arith.constant 0 : i32
    %scan3A_32 = arith.constant 160 : i32
    %scan3A_33 = arith.addi %scan3A_31, %scan3A_32 : i32
    %scan3A_34 = arith.constant 1 : i32
    %scan3A_35 = scf.for %scan3A_39 = %scan3A_31 to %scan3A_33 step %scan3A_34 iter_args(%scan3A_40 = %scan3A) -> (i32)  : i32 {
      %mul3A_41 = arith.constant 16 : i32
      %mul3A_42 = arith.muli %scan3A_39, %mul3A_41 : i32
      %add3A_43 = vector.broadcast %mul3A_42 : i32 to vector<16xi32>
      %add3A_44 = arith.addi %iota3A, %add3A_43 : vector<16xi32>
      %gather3A = tpu.vector_load_idx %arg6[%add3A_44] : memref<2560xi32, #tpu.memory_space<vmem>>[vector<16xi32>], vector<16xi32>,
      %jit3A_45 = arith.constant 20 : i32
      %div3A_46 = vector.broadcast %jit3A_45 : i32 to vector<16xi32>
      %div3A_47 = arith.divsi %add3A_44, %div3A_46 : vector<16xi32>
      %sign3A_48 = arith.constant 0 : i32
      %sign3A_49 = vector.broadcast %sign3A_48 : i32 to vector<16xi32>
      %sign3A_50 = arith.cmpi sgt, %add3A_44, %sign3A_49 : vector<16xi32>
      %sign3A_51 = arith.extui %sign3A_50 : vector<16xi1> to vector<16xi32>
      %sign3A_52 = arith.constant 0 : i32
      %sign3A_53 = vector.broadcast %sign3A_52 : i32 to vector<16xi32>
      %sign3A_54 = arith.cmpi slt, %add3A_44, %sign3A_53 : vector<16xi32>
      %sign3A_55 = arith.extui %sign3A_54 : vector<16xi1> to vector<16xi32>
      %sign3A_56 = arith.subi %sign3A_51, %sign3A_55 : vector<16xi32>
      %sign3A_57 = arith.constant 0 : i32
      %sign3A_58 = arith.cmpi sgt, %jit3A_45, %sign3A_57 : i32
      %sign3A_59 = arith.extui %sign3A_58 : i1 to i32
      %sign3A_60 = arith.constant 0 : i32
      %sign3A_61 = arith.cmpi slt, %jit3A_45, %sign3A_60 : i32
      %sign3A_62 = arith.extui %sign3A_61 : i1 to i32
      %sign3A_63 = arith.subi %sign3A_59, %sign3A_62 : i32
      %ne3A_64 = vector.broadcast %sign3A_63 : i32 to vector<16xi32>
      %ne3A_65 = arith.cmpi ne, %sign3A_56, %ne3A_64 : vector<16xi32>
      %rem3A_66 = vector.broadcast %jit3A_45 : i32 to vector<16xi32>
      %rem3A_67 = arith.remsi %add3A_44, %rem3A_66 : vector<16xi32>
      %ne3A_68 = arith.constant 0 : i32
      %ne3A_69 = vector.broadcast %ne3A_68 : i32 to vector<16xi32>
      %ne3A_70 = arith.cmpi ne, %rem3A_67, %ne3A_69 : vector<16xi32>
      %and3A_71 = arith.andi %ne3A_65, %ne3A_70 : vector<16xi1>
      %sub3A_72 = arith.constant 1 : i32
      %sub3A_73 = vector.broadcast %sub3A_72 : i32 to vector<16xi32>
      %sub3A_74 = arith.subi %div3A_47, %sub3A_73 : vector<16xi32>
      %select_n3A_75 = arith.select %and3A_71, %sub3A_74, %div3A_47 : vector<16xi1>, vector<16xi32>
      %mul3A_76 = arith.constant 20 : i32
      %mul3A_77 = vector.broadcast %mul3A_76 : i32 to vector<16xi32>
      %mul3A_78 = arith.muli %select_n3A_75, %mul3A_77 : vector<16xi32>
      %sub3A_79 = arith.subi %add3A_44, %mul3A_78 : vector<16xi32>
      %shift_right_arithmetic3A = arith.constant 2 : i32
      %shift_right_arithmetic3A_80 = vector.broadcast %shift_right_arithmetic3A : i32 to vector<16xi32>
      %shift_right_arithmetic3A_81 = arith.shrsi %sub3A_79, %shift_right_arithmetic3A_80 : vector<16xi32>
      %and3A_82 = arith.constant 3 : i32
      %and3A_83 = vector.broadcast %and3A_82 : i32 to vector<16xi32>
      %and3A_84 = arith.andi %sub3A_79, %and3A_83 : vector<16xi32>
      %shift_left3A = arith.constant 4 : i32
      %shift_left3A_85 = vector.broadcast %shift_left3A : i32 to vector<16xi32>
      %shift_left3A_86 = arith.shli %and3A_84, %shift_left3A_85 : vector<16xi32>
      %broadcast_in_dim3A = arith.constant 0 : i32
      %broadcast_in_dim3A_87 = vector.broadcast %broadcast_in_dim3A : i32 to vector<16xi32>
      %gather3A_88 = tpu.vector_load_idx %arg5[%gather3A, %broadcast_in_dim3A_87] : memref<2048x16xf32, #tpu.memory_space<vmem>>[vector<16xi32>, vector<16xi32>], vector<16xf32>,
      %add3A_89 = arith.addi %shift_left3A_86, %broadcast_in_dim3A_87 : vector<16xi32>
      tpu.vector_store_idx %arg7[%shift_right_arithmetic3A_81, %select_n3A_75, %add3A_89], %gather3A_88 : memref<5x128x64xf32, #tpu.memory_space<vmem>>[vector<16xi32>, vector<16xi32>, vector<16xi32>], vector<16xf32>,
      %broadcast_in_dim3A_90 = arith.constant 1 : i32
      %broadcast_in_dim3A_91 = vector.broadcast %broadcast_in_dim3A_90 : i32 to vector<16xi32>
      %gather3A_92 = tpu.vector_load_idx %arg5[%gather3A, %broadcast_in_dim3A_91] : memref<2048x16xf32, #tpu.memory_space<vmem>>[vector<16xi32>, vector<16xi32>], vector<16xf32>,
      %add3A_93 = arith.addi %shift_left3A_86, %broadcast_in_dim3A_91 : vector<16xi32>
      tpu.vector_store_idx %arg7[%shift_right_arithmetic3A_81, %select_n3A_75, %add3A_93], %gather3A_92 : memref<5x128x64xf32, #tpu.memory_space<vmem>>[vector<16xi32>, vector<16xi32>, vector<16xi32>], vector<16xf32>,
      %broadcast_in_dim3A_94 = arith.constant 2 : i32
      %broadcast_in_dim3A_95 = vector.broadcast %broadcast_in_dim3A_94 : i32 to vector<16xi32>
      %gather3A_96 = tpu.vector_load_idx %arg5[%gather3A, %broadcast_in_dim3A_95] : memref<2048x16xf32, #tpu.memory_space<vmem>>[vector<16xi32>, vector<16xi32>], vector<16xf32>,
      %add3A_97 = arith.addi %shift_left3A_86, %broadcast_in_dim3A_95 : vector<16xi32>
      tpu.vector_store_idx %arg7[%shift_right_arithmetic3A_81, %select_n3A_75, %add3A_97], %gather3A_96 : memref<5x128x64xf32, #tpu.memory_space<vmem>>[vector<16xi32>, vector<16xi32>, vector<16xi32>], vector<16xf32>,
      %broadcast_in_dim3A_98 = arith.constant 3 : i32
      %broadcast_in_dim3A_99 = vector.broadcast %broadcast_in_dim3A_98 : i32 to vector<16xi32>
      %gather3A_100 = tpu.vector_load_idx %arg5[%gather3A, %broadcast_in_dim3A_99] : memref<2048x16xf32, #tpu.memory_space<vmem>>[vector<16xi32>, vector<16xi32>], vector<16xf32>,
      %add3A_101 = arith.addi %shift_left3A_86, %broadcast_in_dim3A_99 : vector<16xi32>
      tpu.vector_store_idx %arg7[%shift_right_arithmetic3A_81, %select_n3A_75, %add3A_101], %gather3A_100 : memref<5x128x64xf32, #tpu.memory_space<vmem>>[vector<16xi32>, vector<16xi32>, vector<16xi32>], vector<16xf32>,
      %broadcast_in_dim3A_102 = arith.constant 4 : i32
      %broadcast_in_dim3A_103 = vector.broadcast %broadcast_in_dim3A_102 : i32 to vector<16xi32>
      %gather3A_104 = tpu.vector_load_idx %arg5[%gather3A, %broadcast_in_dim3A_103] : memref<2048x16xf32, #tpu.memory_space<vmem>>[vector<16xi32>, vector<16xi32>], vector<16xf32>,
      %add3A_105 = arith.addi %shift_left3A_86, %broadcast_in_dim3A_103 : vector<16xi32>
      tpu.vector_store_idx %arg7[%shift_right_arithmetic3A_81, %select_n3A_75, %add3A_105], %gather3A_104 : memref<5x128x64xf32, #tpu.memory_space<vmem>>[vector<16xi32>, vector<16xi32>, vector<16xi32>], vector<16xf32>,
      %broadcast_in_dim3A_106 = arith.constant 5 : i32
      %broadcast_in_dim3A_107 = vector.broadcast %broadcast_in_dim3A_106 : i32 to vector<16xi32>
      %gather3A_108 = tpu.vector_load_idx %arg5[%gather3A, %broadcast_in_dim3A_107] : memref<2048x16xf32, #tpu.memory_space<vmem>>[vector<16xi32>, vector<16xi32>], vector<16xf32>,
      %add3A_109 = arith.addi %shift_left3A_86, %broadcast_in_dim3A_107 : vector<16xi32>
      tpu.vector_store_idx %arg7[%shift_right_arithmetic3A_81, %select_n3A_75, %add3A_109], %gather3A_108 : memref<5x128x64xf32, #tpu.memory_space<vmem>>[vector<16xi32>, vector<16xi32>, vector<16xi32>], vector<16xf32>,
      %broadcast_in_dim3A_110 = arith.constant 6 : i32
      %broadcast_in_dim3A_111 = vector.broadcast %broadcast_in_dim3A_110 : i32 to vector<16xi32>
      %gather3A_112 = tpu.vector_load_idx %arg5[%gather3A, %broadcast_in_dim3A_111] : memref<2048x16xf32, #tpu.memory_space<vmem>>[vector<16xi32>, vector<16xi32>], vector<16xf32>,
      %add3A_113 = arith.addi %shift_left3A_86, %broadcast_in_dim3A_111 : vector<16xi32>
      tpu.vector_store_idx %arg7[%shift_right_arithmetic3A_81, %select_n3A_75, %add3A_113], %gather3A_112 : memref<5x128x64xf32, #tpu.memory_space<vmem>>[vector<16xi32>, vector<16xi32>, vector<16xi32>], vector<16xf32>,
      %broadcast_in_dim3A_114 = arith.constant 7 : i32
      %broadcast_in_dim3A_115 = vector.broadcast %broadcast_in_dim3A_114 : i32 to vector<16xi32>
      %gather3A_116 = tpu.vector_load_idx %arg5[%gather3A, %broadcast_in_dim3A_115] : memref<2048x16xf32, #tpu.memory_space<vmem>>[vector<16xi32>, vector<16xi32>], vector<16xf32>,
      %add3A_117 = arith.addi %shift_left3A_86, %broadcast_in_dim3A_115 : vector<16xi32>
      tpu.vector_store_idx %arg7[%shift_right_arithmetic3A_81, %select_n3A_75, %add3A_117], %gather3A_116 : memref<5x128x64xf32, #tpu.memory_space<vmem>>[vector<16xi32>, vector<16xi32>, vector<16xi32>], vector<16xf32>,
      %broadcast_in_dim3A_118 = arith.constant 8 : i32
      %broadcast_in_dim3A_119 = vector.broadcast %broadcast_in_dim3A_118 : i32 to vector<16xi32>
      %gather3A_120 = tpu.vector_load_idx %arg5[%gather3A, %broadcast_in_dim3A_119] : memref<2048x16xf32, #tpu.memory_space<vmem>>[vector<16xi32>, vector<16xi32>], vector<16xf32>,
      %add3A_121 = arith.addi %shift_left3A_86, %broadcast_in_dim3A_119 : vector<16xi32>
      tpu.vector_store_idx %arg7[%shift_right_arithmetic3A_81, %select_n3A_75, %add3A_121], %gather3A_120 : memref<5x128x64xf32, #tpu.memory_space<vmem>>[vector<16xi32>, vector<16xi32>, vector<16xi32>], vector<16xf32>,
      %broadcast_in_dim3A_122 = arith.constant 9 : i32
      %broadcast_in_dim3A_123 = vector.broadcast %broadcast_in_dim3A_122 : i32 to vector<16xi32>
      %gather3A_124 = tpu.vector_load_idx %arg5[%gather3A, %broadcast_in_dim3A_123] : memref<2048x16xf32, #tpu.memory_space<vmem>>[vector<16xi32>, vector<16xi32>], vector<16xf32>,
      %add3A_125 = arith.addi %shift_left3A_86, %broadcast_in_dim3A_123 : vector<16xi32>
      tpu.vector_store_idx %arg7[%shift_right_arithmetic3A_81, %select_n3A_75, %add3A_125], %gather3A_124 : memref<5x128x64xf32, #tpu.memory_space<vmem>>[vector<16xi32>, vector<16xi32>, vector<16xi32>], vector<16xf32>,
      %broadcast_in_dim3A_126 = arith.constant 10 : i32
      %broadcast_in_dim3A_127 = vector.broadcast %broadcast_in_dim3A_126 : i32 to vector<16xi32>
      %gather3A_128 = tpu.vector_load_idx %arg5[%gather3A, %broadcast_in_dim3A_127] : memref<2048x16xf32, #tpu.memory_space<vmem>>[vector<16xi32>, vector<16xi32>], vector<16xf32>,
      %add3A_129 = arith.addi %shift_left3A_86, %broadcast_in_dim3A_127 : vector<16xi32>
      tpu.vector_store_idx %arg7[%shift_right_arithmetic3A_81, %select_n3A_75, %add3A_129], %gather3A_128 : memref<5x128x64xf32, #tpu.memory_space<vmem>>[vector<16xi32>, vector<16xi32>, vector<16xi32>], vector<16xf32>,
      %broadcast_in_dim3A_130 = arith.constant 11 : i32
      %broadcast_in_dim3A_131 = vector.broadcast %broadcast_in_dim3A_130 : i32 to vector<16xi32>
      %gather3A_132 = tpu.vector_load_idx %arg5[%gather3A, %broadcast_in_dim3A_131] : memref<2048x16xf32, #tpu.memory_space<vmem>>[vector<16xi32>, vector<16xi32>], vector<16xf32>,
      %add3A_133 = arith.addi %shift_left3A_86, %broadcast_in_dim3A_131 : vector<16xi32>
      tpu.vector_store_idx %arg7[%shift_right_arithmetic3A_81, %select_n3A_75, %add3A_133], %gather3A_132 : memref<5x128x64xf32, #tpu.memory_space<vmem>>[vector<16xi32>, vector<16xi32>, vector<16xi32>], vector<16xf32>,
      %broadcast_in_dim3A_134 = arith.constant 12 : i32
      %broadcast_in_dim3A_135 = vector.broadcast %broadcast_in_dim3A_134 : i32 to vector<16xi32>
      %gather3A_136 = tpu.vector_load_idx %arg5[%gather3A, %broadcast_in_dim3A_135] : memref<2048x16xf32, #tpu.memory_space<vmem>>[vector<16xi32>, vector<16xi32>], vector<16xf32>,
      %add3A_137 = arith.addi %shift_left3A_86, %broadcast_in_dim3A_135 : vector<16xi32>
      tpu.vector_store_idx %arg7[%shift_right_arithmetic3A_81, %select_n3A_75, %add3A_137], %gather3A_136 : memref<5x128x64xf32, #tpu.memory_space<vmem>>[vector<16xi32>, vector<16xi32>, vector<16xi32>], vector<16xf32>,
      %broadcast_in_dim3A_138 = arith.constant 13 : i32
      %broadcast_in_dim3A_139 = vector.broadcast %broadcast_in_dim3A_138 : i32 to vector<16xi32>
      %gather3A_140 = tpu.vector_load_idx %arg5[%gather3A, %broadcast_in_dim3A_139] : memref<2048x16xf32, #tpu.memory_space<vmem>>[vector<16xi32>, vector<16xi32>], vector<16xf32>,
      %add3A_141 = arith.addi %shift_left3A_86, %broadcast_in_dim3A_139 : vector<16xi32>
      tpu.vector_store_idx %arg7[%shift_right_arithmetic3A_81, %select_n3A_75, %add3A_141], %gather3A_140 : memref<5x128x64xf32, #tpu.memory_space<vmem>>[vector<16xi32>, vector<16xi32>, vector<16xi32>], vector<16xf32>,
      %broadcast_in_dim3A_142 = arith.constant 14 : i32
      %broadcast_in_dim3A_143 = vector.broadcast %broadcast_in_dim3A_142 : i32 to vector<16xi32>
      %gather3A_144 = tpu.vector_load_idx %arg5[%gather3A, %broadcast_in_dim3A_143] : memref<2048x16xf32, #tpu.memory_space<vmem>>[vector<16xi32>, vector<16xi32>], vector<16xf32>,
      %add3A_145 = arith.addi %shift_left3A_86, %broadcast_in_dim3A_143 : vector<16xi32>
      tpu.vector_store_idx %arg7[%shift_right_arithmetic3A_81, %select_n3A_75, %add3A_145], %gather3A_144 : memref<5x128x64xf32, #tpu.memory_space<vmem>>[vector<16xi32>, vector<16xi32>, vector<16xi32>], vector<16xf32>,
      %broadcast_in_dim3A_146 = arith.constant 15 : i32
      %broadcast_in_dim3A_147 = vector.broadcast %broadcast_in_dim3A_146 : i32 to vector<16xi32>
      %gather3A_148 = tpu.vector_load_idx %arg5[%gather3A, %broadcast_in_dim3A_147] : memref<2048x16xf32, #tpu.memory_space<vmem>>[vector<16xi32>, vector<16xi32>], vector<16xf32>,
      %add3A_149 = arith.addi %shift_left3A_86, %broadcast_in_dim3A_147 : vector<16xi32>
      tpu.vector_store_idx %arg7[%shift_right_arithmetic3A_81, %select_n3A_75, %add3A_149], %gather3A_148 : memref<5x128x64xf32, #tpu.memory_space<vmem>>[vector<16xi32>, vector<16xi32>, vector<16xi32>], vector<16xf32>,
      %scan3A_150 = arith.constant 0 : i32
      scf.yield %scan3A_150 : i32
    }
    %scan3A_36 = arith.constant 160 : i32
    %mul3A_37 = arith.constant 128 : i32
    %mul3A_38 = arith.muli %select_n3A_30, %mul3A_37 : i32
    "tpu.region"() ({
      %run_scoped3A = tpu.sem_alloc : memref<!tpu.dma_semaphore, #tpu.memory_space<semaphore_mem>>
      %dma_start3A = arith.constant 0 : i32
      %dma_start3A_39 = arith.constant 0 : i32
      %dma_start3A_40 = tpu.memref_slice %arg4[%select_n3A, %dma_start3A, %mul3A_38, %dma_start3A_39] : memref<2x5x2048x64xf32, #tpu.memory_space<hbm>> -> memref<1x5x128x64xf32, #tpu.memory_space<hbm>>
      %dma_start3A_41 = tpu.memref_squeeze %dma_start3A_40 : memref<1x5x128x64xf32, #tpu.memory_space<hbm>> -> memref<5x128x64xf32, #tpu.memory_space<hbm>>
      %dma_start3A_42 = arith.constant 0 : i32
      %dma_start3A_43 = arith.constant 0 : i32
      %dma_start3A_44 = tpu.memref_slice %arg4[%select_n3A, %dma_start3A_42, %mul3A_38, %dma_start3A_43] : memref<2x5x2048x64xf32, #tpu.memory_space<hbm>> -> memref<1x5x128x64xf32, #tpu.memory_space<hbm>>
      %dma_start3A_45 = tpu.memref_squeeze %dma_start3A_44 : memref<1x5x128x64xf32, #tpu.memory_space<hbm>> -> memref<5x128x64xf32, #tpu.memory_space<hbm>>
      tpu.enqueue_dma source(%arg7 : memref<5x128x64xf32, #tpu.memory_space<vmem>>) target(%dma_start3A_45 : memref<5x128x64xf32, #tpu.memory_space<hbm>>) target_semaphore(%run_scoped3A : memref<!tpu.dma_semaphore, #tpu.memory_space<semaphore_mem>>)
      %dma_wait3A = arith.constant 0 : i32
      %dma_wait3A_46 = arith.constant 0 : i32
      %dma_wait3A_47 = tpu.memref_slice %arg4[%select_n3A, %dma_wait3A, %mul3A_38, %dma_wait3A_46] : memref<2x5x2048x64xf32, #tpu.memory_space<hbm>> -> memref<1x5x128x64xf32, #tpu.memory_space<hbm>>
      %dma_wait3A_48 = tpu.memref_squeeze %dma_wait3A_47 : memref<1x5x128x64xf32, #tpu.memory_space<hbm>> -> memref<5x128x64xf32, #tpu.memory_space<hbm>>
      %dma_wait3A_49 = arith.constant 0 : i32
      %dma_wait3A_50 = arith.constant 0 : i32
      %dma_wait3A_51 = tpu.memref_slice %arg4[%select_n3A, %dma_wait3A_49, %mul3A_38, %dma_wait3A_50] : memref<2x5x2048x64xf32, #tpu.memory_space<hbm>> -> memref<1x5x128x64xf32, #tpu.memory_space<hbm>>
      %dma_wait3A_52 = tpu.memref_squeeze %dma_wait3A_51 : memref<1x5x128x64xf32, #tpu.memory_space<hbm>> -> memref<5x128x64xf32, #tpu.memory_space<hbm>>
      tpu.wait_dma2 semaphore(%run_scoped3A : memref<!tpu.dma_semaphore, #tpu.memory_space<semaphore_mem>>) src(%arg7 : memref<5x128x64xf32, #tpu.memory_space<vmem>>) dst(%dma_wait3A_52 : memref<5x128x64xf32, #tpu.memory_space<hbm>>)
      tpu.yield
    }) : () -> ()
    return
  }
}

module attributes {stable_mosaic.version = 14 : i64} {
  func.func @_topk_kernel(%arg0: i32, %arg1: i32, %arg2: memref<1x1x2048xf32, #tpu.memory_space<vmem>>, %arg3: memref<1x512x1xf32, #tpu.memory_space<vmem>>, %arg4: memref<1x512x2048xf32, #tpu.memory_space<vmem>>, %arg5: memref<1x512x20xi32, #tpu.memory_space<vmem>>) attributes {dimension_semantics = [#tpu.dimension_semantics<arbitrary>, #tpu.dimension_semantics<arbitrary>], iteration_bounds = array<i64: 2, 4>, scalar_prefetch = 0 : i64, scratch_operands = 0 : i64, tpu.core_type = #tpu.core_type<tc>, window_params = [{transform_indices = @transform_0, window_bounds = array<i64: 1, 1, 2048>}, {transform_indices = @transform_1, window_bounds = array<i64: 1, 512, 1>}, {transform_indices = @transform_2, window_bounds = array<i64: 1, 512, 2048>}, {transform_indices = @transform_3, window_bounds = array<i64: 1, 512, 20>}]} {
    %get3A = arith.constant 0 : index
    %get3A_0 = arith.constant 0 : index
    %get3A_1 = arith.constant 0 : index
    %get3A_2 = vector.load %arg2[%get3A, %get3A_0, %get3A_1] : memref<1x1x2048xf32, #tpu.memory_space<vmem>>, vector<1x1x2048xf32>
    %get3A_3 = vector.shape_cast %get3A_2 : vector<1x1x2048xf32> to vector<1x2048xf32>
    %get3A_4 = arith.constant 0 : index
    %get3A_5 = arith.constant 0 : index
    %get3A_6 = arith.constant 0 : index
    %get3A_7 = vector.load %arg3[%get3A_4, %get3A_5, %get3A_6] : memref<1x512x1xf32, #tpu.memory_space<vmem>>, vector<1x512x1xf32>
    %get3A_8 = vector.shape_cast %get3A_7 : vector<1x512x1xf32> to vector<512x1xf32>
    %get3A_9 = arith.constant 0 : index
    %get3A_10 = arith.constant 0 : index
    %get3A_11 = arith.constant 0 : index
    %get3A_12 = vector.load %arg4[%get3A_9, %get3A_10, %get3A_11] : memref<1x512x2048xf32, #tpu.memory_space<vmem>>, vector<1x512x2048xf32>
    %get3A_13 = vector.shape_cast %get3A_12 : vector<1x512x2048xf32> to vector<512x2048xf32>
    %sub3A = vector.broadcast %get3A_3 : vector<1x2048xf32> to vector<512x2048xf32>
    %sub3A_14 = vector.broadcast %get3A_8 : vector<512x1xf32> to vector<512x2048xf32>
    %sub3A_15 = arith.subf %sub3A, %sub3A_14 : vector<512x2048xf32>
    %abs3A = math.absf %sub3A_15 : vector<512x2048xf32>
    %mul3A = arith.mulf %get3A_13, %abs3A : vector<512x2048xf32>
    %iota3A = tpu.iota {dimensions = array<i32: 1>} : vector<1x2048xi32>
    %iota3A_16 = tpu.iota {dimensions = array<i32: 1>} : vector<1x20xi32>
    %reduce_min3A = arith.constant dense<0x7F800000> : vector<512xf32>
    %reduce_min3A_17 = vector.multi_reduction <minimumf>, %mul3A, %reduce_min3A [1] : vector<512x2048xf32> to vector<512xf32>
    %broadcast_in_dim3A = vector.shape_cast %reduce_min3A_17 : vector<512xf32> to vector<512x1xf32>
    %broadcast_in_dim3A_18 = arith.constant 0 : i32
    %broadcast_in_dim3A_19 = vector.broadcast %broadcast_in_dim3A_18 : i32 to vector<512x20xi32>
    %scan3A = arith.constant 0 : i32
    %eq3A = vector.broadcast %broadcast_in_dim3A : vector<512x1xf32> to vector<512x2048xf32>
    %eq3A_20 = arith.cmpf oeq, %mul3A, %eq3A : vector<512x2048xf32>
    %jit3A = arith.constant 2048 : i32
    %broadcast_in_dim3A_21 = vector.shape_cast %iota3A : vector<1x2048xi32> to vector<1x2048xi32>
    %broadcast_in_dim3A_22 = vector.broadcast %broadcast_in_dim3A_21 : vector<1x2048xi32> to vector<512x2048xi32>
    %broadcast_in_dim3A_23 = vector.broadcast %jit3A : i32 to vector<512x2048xi32>
    %select_n3A = arith.select %eq3A_20, %broadcast_in_dim3A_22, %broadcast_in_dim3A_23 : vector<512x2048xi1>, vector<512x2048xi32>
    %reduce_min3A_24 = arith.constant dense<2147483647> : vector<512xi32>
    %reduce_min3A_25 = vector.multi_reduction <minsi>, %select_n3A, %reduce_min3A_24 [1] : vector<512x2048xi32> to vector<512xi32>
    %broadcast_in_dim3A_26 = vector.shape_cast %reduce_min3A_25 : vector<512xi32> to vector<512x1xi32>
    %eq3A_27 = vector.broadcast %iota3A : vector<1x2048xi32> to vector<512x2048xi32>
    %eq3A_28 = vector.broadcast %broadcast_in_dim3A_26 : vector<512x1xi32> to vector<512x2048xi32>
    %eq3A_29 = arith.cmpi eq, %eq3A_27, %eq3A_28 : vector<512x2048xi32>
    %jit3A_30 = arith.constant 0x7F800000 : f32
    %broadcast_in_dim3A_31 = vector.broadcast %jit3A_30 : f32 to vector<512x2048xf32>
    %select_n3A_32 = arith.select %eq3A_29, %broadcast_in_dim3A_31, %mul3A : vector<512x2048xi1>, vector<512x2048xf32>
    %reduce_min3A_33 = arith.constant dense<0x7F800000> : vector<512xf32>
    %reduce_min3A_34 = vector.multi_reduction <minimumf>, %select_n3A_32, %reduce_min3A_33 [1] : vector<512x2048xf32> to vector<512xf32>
    %broadcast_in_dim3A_35 = vector.shape_cast %reduce_min3A_34 : vector<512xf32> to vector<512x1xf32>
    %eq3A_36 = vector.broadcast %scan3A : i32 to vector<1x20xi32>
    %eq3A_37 = arith.cmpi eq, %iota3A_16, %eq3A_36 : vector<1x20xi32>
    %broadcast_in_dim3A_38 = vector.shape_cast %eq3A_37 : vector<1x20xi1> to vector<1x20xi1>
    %broadcast_in_dim3A_39 = vector.broadcast %broadcast_in_dim3A_38 : vector<1x20xi1> to vector<512x20xi1>
    %broadcast_in_dim3A_40 = vector.shape_cast %broadcast_in_dim3A_26 : vector<512x1xi32> to vector<512x1xi32>
    %broadcast_in_dim3A_41 = vector.broadcast %broadcast_in_dim3A_40 : vector<512x1xi32> to vector<512x20xi32>
    %select_n3A_42 = arith.select %broadcast_in_dim3A_39, %broadcast_in_dim3A_41, %broadcast_in_dim3A_19 : vector<512x20xi1>, vector<512x20xi32>
    %scan3A_43 = arith.constant 1 : i32
    %eq3A_44 = vector.broadcast %broadcast_in_dim3A_35 : vector<512x1xf32> to vector<512x2048xf32>
    %eq3A_45 = arith.cmpf oeq, %select_n3A_32, %eq3A_44 : vector<512x2048xf32>
    %jit3A_46 = arith.constant 2048 : i32
    %broadcast_in_dim3A_47 = vector.shape_cast %iota3A : vector<1x2048xi32> to vector<1x2048xi32>
    %broadcast_in_dim3A_48 = vector.broadcast %broadcast_in_dim3A_47 : vector<1x2048xi32> to vector<512x2048xi32>
    %broadcast_in_dim3A_49 = vector.broadcast %jit3A_46 : i32 to vector<512x2048xi32>
    %select_n3A_50 = arith.select %eq3A_45, %broadcast_in_dim3A_48, %broadcast_in_dim3A_49 : vector<512x2048xi1>, vector<512x2048xi32>
    %reduce_min3A_51 = arith.constant dense<2147483647> : vector<512xi32>
    %reduce_min3A_52 = vector.multi_reduction <minsi>, %select_n3A_50, %reduce_min3A_51 [1] : vector<512x2048xi32> to vector<512xi32>
    %broadcast_in_dim3A_53 = vector.shape_cast %reduce_min3A_52 : vector<512xi32> to vector<512x1xi32>
    %eq3A_54 = vector.broadcast %iota3A : vector<1x2048xi32> to vector<512x2048xi32>
    %eq3A_55 = vector.broadcast %broadcast_in_dim3A_53 : vector<512x1xi32> to vector<512x2048xi32>
    %eq3A_56 = arith.cmpi eq, %eq3A_54, %eq3A_55 : vector<512x2048xi32>
    %jit3A_57 = arith.constant 0x7F800000 : f32
    %broadcast_in_dim3A_58 = vector.broadcast %jit3A_57 : f32 to vector<512x2048xf32>
    %select_n3A_59 = arith.select %eq3A_56, %broadcast_in_dim3A_58, %select_n3A_32 : vector<512x2048xi1>, vector<512x2048xf32>
    %reduce_min3A_60 = arith.constant dense<0x7F800000> : vector<512xf32>
    %reduce_min3A_61 = vector.multi_reduction <minimumf>, %select_n3A_59, %reduce_min3A_60 [1] : vector<512x2048xf32> to vector<512xf32>
    %broadcast_in_dim3A_62 = vector.shape_cast %reduce_min3A_61 : vector<512xf32> to vector<512x1xf32>
    %eq3A_63 = vector.broadcast %scan3A_43 : i32 to vector<1x20xi32>
    %eq3A_64 = arith.cmpi eq, %iota3A_16, %eq3A_63 : vector<1x20xi32>
    %broadcast_in_dim3A_65 = vector.shape_cast %eq3A_64 : vector<1x20xi1> to vector<1x20xi1>
    %broadcast_in_dim3A_66 = vector.broadcast %broadcast_in_dim3A_65 : vector<1x20xi1> to vector<512x20xi1>
    %broadcast_in_dim3A_67 = vector.shape_cast %broadcast_in_dim3A_53 : vector<512x1xi32> to vector<512x1xi32>
    %broadcast_in_dim3A_68 = vector.broadcast %broadcast_in_dim3A_67 : vector<512x1xi32> to vector<512x20xi32>
    %select_n3A_69 = arith.select %broadcast_in_dim3A_66, %broadcast_in_dim3A_68, %select_n3A_42 : vector<512x20xi1>, vector<512x20xi32>
    %scan3A_70 = arith.constant 2 : i32
    %eq3A_71 = vector.broadcast %broadcast_in_dim3A_62 : vector<512x1xf32> to vector<512x2048xf32>
    %eq3A_72 = arith.cmpf oeq, %select_n3A_59, %eq3A_71 : vector<512x2048xf32>
    %jit3A_73 = arith.constant 2048 : i32
    %broadcast_in_dim3A_74 = vector.shape_cast %iota3A : vector<1x2048xi32> to vector<1x2048xi32>
    %broadcast_in_dim3A_75 = vector.broadcast %broadcast_in_dim3A_74 : vector<1x2048xi32> to vector<512x2048xi32>
    %broadcast_in_dim3A_76 = vector.broadcast %jit3A_73 : i32 to vector<512x2048xi32>
    %select_n3A_77 = arith.select %eq3A_72, %broadcast_in_dim3A_75, %broadcast_in_dim3A_76 : vector<512x2048xi1>, vector<512x2048xi32>
    %reduce_min3A_78 = arith.constant dense<2147483647> : vector<512xi32>
    %reduce_min3A_79 = vector.multi_reduction <minsi>, %select_n3A_77, %reduce_min3A_78 [1] : vector<512x2048xi32> to vector<512xi32>
    %broadcast_in_dim3A_80 = vector.shape_cast %reduce_min3A_79 : vector<512xi32> to vector<512x1xi32>
    %eq3A_81 = vector.broadcast %iota3A : vector<1x2048xi32> to vector<512x2048xi32>
    %eq3A_82 = vector.broadcast %broadcast_in_dim3A_80 : vector<512x1xi32> to vector<512x2048xi32>
    %eq3A_83 = arith.cmpi eq, %eq3A_81, %eq3A_82 : vector<512x2048xi32>
    %jit3A_84 = arith.constant 0x7F800000 : f32
    %broadcast_in_dim3A_85 = vector.broadcast %jit3A_84 : f32 to vector<512x2048xf32>
    %select_n3A_86 = arith.select %eq3A_83, %broadcast_in_dim3A_85, %select_n3A_59 : vector<512x2048xi1>, vector<512x2048xf32>
    %reduce_min3A_87 = arith.constant dense<0x7F800000> : vector<512xf32>
    %reduce_min3A_88 = vector.multi_reduction <minimumf>, %select_n3A_86, %reduce_min3A_87 [1] : vector<512x2048xf32> to vector<512xf32>
    %broadcast_in_dim3A_89 = vector.shape_cast %reduce_min3A_88 : vector<512xf32> to vector<512x1xf32>
    %eq3A_90 = vector.broadcast %scan3A_70 : i32 to vector<1x20xi32>
    %eq3A_91 = arith.cmpi eq, %iota3A_16, %eq3A_90 : vector<1x20xi32>
    %broadcast_in_dim3A_92 = vector.shape_cast %eq3A_91 : vector<1x20xi1> to vector<1x20xi1>
    %broadcast_in_dim3A_93 = vector.broadcast %broadcast_in_dim3A_92 : vector<1x20xi1> to vector<512x20xi1>
    %broadcast_in_dim3A_94 = vector.shape_cast %broadcast_in_dim3A_80 : vector<512x1xi32> to vector<512x1xi32>
    %broadcast_in_dim3A_95 = vector.broadcast %broadcast_in_dim3A_94 : vector<512x1xi32> to vector<512x20xi32>
    %select_n3A_96 = arith.select %broadcast_in_dim3A_93, %broadcast_in_dim3A_95, %select_n3A_69 : vector<512x20xi1>, vector<512x20xi32>
    %scan3A_97 = arith.constant 3 : i32
    %eq3A_98 = vector.broadcast %broadcast_in_dim3A_89 : vector<512x1xf32> to vector<512x2048xf32>
    %eq3A_99 = arith.cmpf oeq, %select_n3A_86, %eq3A_98 : vector<512x2048xf32>
    %jit3A_100 = arith.constant 2048 : i32
    %broadcast_in_dim3A_101 = vector.shape_cast %iota3A : vector<1x2048xi32> to vector<1x2048xi32>
    %broadcast_in_dim3A_102 = vector.broadcast %broadcast_in_dim3A_101 : vector<1x2048xi32> to vector<512x2048xi32>
    %broadcast_in_dim3A_103 = vector.broadcast %jit3A_100 : i32 to vector<512x2048xi32>
    %select_n3A_104 = arith.select %eq3A_99, %broadcast_in_dim3A_102, %broadcast_in_dim3A_103 : vector<512x2048xi1>, vector<512x2048xi32>
    %reduce_min3A_105 = arith.constant dense<2147483647> : vector<512xi32>
    %reduce_min3A_106 = vector.multi_reduction <minsi>, %select_n3A_104, %reduce_min3A_105 [1] : vector<512x2048xi32> to vector<512xi32>
    %broadcast_in_dim3A_107 = vector.shape_cast %reduce_min3A_106 : vector<512xi32> to vector<512x1xi32>
    %eq3A_108 = vector.broadcast %iota3A : vector<1x2048xi32> to vector<512x2048xi32>
    %eq3A_109 = vector.broadcast %broadcast_in_dim3A_107 : vector<512x1xi32> to vector<512x2048xi32>
    %eq3A_110 = arith.cmpi eq, %eq3A_108, %eq3A_109 : vector<512x2048xi32>
    %jit3A_111 = arith.constant 0x7F800000 : f32
    %broadcast_in_dim3A_112 = vector.broadcast %jit3A_111 : f32 to vector<512x2048xf32>
    %select_n3A_113 = arith.select %eq3A_110, %broadcast_in_dim3A_112, %select_n3A_86 : vector<512x2048xi1>, vector<512x2048xf32>
    %reduce_min3A_114 = arith.constant dense<0x7F800000> : vector<512xf32>
    %reduce_min3A_115 = vector.multi_reduction <minimumf>, %select_n3A_113, %reduce_min3A_114 [1] : vector<512x2048xf32> to vector<512xf32>
    %broadcast_in_dim3A_116 = vector.shape_cast %reduce_min3A_115 : vector<512xf32> to vector<512x1xf32>
    %eq3A_117 = vector.broadcast %scan3A_97 : i32 to vector<1x20xi32>
    %eq3A_118 = arith.cmpi eq, %iota3A_16, %eq3A_117 : vector<1x20xi32>
    %broadcast_in_dim3A_119 = vector.shape_cast %eq3A_118 : vector<1x20xi1> to vector<1x20xi1>
    %broadcast_in_dim3A_120 = vector.broadcast %broadcast_in_dim3A_119 : vector<1x20xi1> to vector<512x20xi1>
    %broadcast_in_dim3A_121 = vector.shape_cast %broadcast_in_dim3A_107 : vector<512x1xi32> to vector<512x1xi32>
    %broadcast_in_dim3A_122 = vector.broadcast %broadcast_in_dim3A_121 : vector<512x1xi32> to vector<512x20xi32>
    %select_n3A_123 = arith.select %broadcast_in_dim3A_120, %broadcast_in_dim3A_122, %select_n3A_96 : vector<512x20xi1>, vector<512x20xi32>
    %scan3A_124 = arith.constant 4 : i32
    %eq3A_125 = vector.broadcast %broadcast_in_dim3A_116 : vector<512x1xf32> to vector<512x2048xf32>
    %eq3A_126 = arith.cmpf oeq, %select_n3A_113, %eq3A_125 : vector<512x2048xf32>
    %jit3A_127 = arith.constant 2048 : i32
    %broadcast_in_dim3A_128 = vector.shape_cast %iota3A : vector<1x2048xi32> to vector<1x2048xi32>
    %broadcast_in_dim3A_129 = vector.broadcast %broadcast_in_dim3A_128 : vector<1x2048xi32> to vector<512x2048xi32>
    %broadcast_in_dim3A_130 = vector.broadcast %jit3A_127 : i32 to vector<512x2048xi32>
    %select_n3A_131 = arith.select %eq3A_126, %broadcast_in_dim3A_129, %broadcast_in_dim3A_130 : vector<512x2048xi1>, vector<512x2048xi32>
    %reduce_min3A_132 = arith.constant dense<2147483647> : vector<512xi32>
    %reduce_min3A_133 = vector.multi_reduction <minsi>, %select_n3A_131, %reduce_min3A_132 [1] : vector<512x2048xi32> to vector<512xi32>
    %broadcast_in_dim3A_134 = vector.shape_cast %reduce_min3A_133 : vector<512xi32> to vector<512x1xi32>
    %eq3A_135 = vector.broadcast %iota3A : vector<1x2048xi32> to vector<512x2048xi32>
    %eq3A_136 = vector.broadcast %broadcast_in_dim3A_134 : vector<512x1xi32> to vector<512x2048xi32>
    %eq3A_137 = arith.cmpi eq, %eq3A_135, %eq3A_136 : vector<512x2048xi32>
    %jit3A_138 = arith.constant 0x7F800000 : f32
    %broadcast_in_dim3A_139 = vector.broadcast %jit3A_138 : f32 to vector<512x2048xf32>
    %select_n3A_140 = arith.select %eq3A_137, %broadcast_in_dim3A_139, %select_n3A_113 : vector<512x2048xi1>, vector<512x2048xf32>
    %reduce_min3A_141 = arith.constant dense<0x7F800000> : vector<512xf32>
    %reduce_min3A_142 = vector.multi_reduction <minimumf>, %select_n3A_140, %reduce_min3A_141 [1] : vector<512x2048xf32> to vector<512xf32>
    %broadcast_in_dim3A_143 = vector.shape_cast %reduce_min3A_142 : vector<512xf32> to vector<512x1xf32>
    %eq3A_144 = vector.broadcast %scan3A_124 : i32 to vector<1x20xi32>
    %eq3A_145 = arith.cmpi eq, %iota3A_16, %eq3A_144 : vector<1x20xi32>
    %broadcast_in_dim3A_146 = vector.shape_cast %eq3A_145 : vector<1x20xi1> to vector<1x20xi1>
    %broadcast_in_dim3A_147 = vector.broadcast %broadcast_in_dim3A_146 : vector<1x20xi1> to vector<512x20xi1>
    %broadcast_in_dim3A_148 = vector.shape_cast %broadcast_in_dim3A_134 : vector<512x1xi32> to vector<512x1xi32>
    %broadcast_in_dim3A_149 = vector.broadcast %broadcast_in_dim3A_148 : vector<512x1xi32> to vector<512x20xi32>
    %select_n3A_150 = arith.select %broadcast_in_dim3A_147, %broadcast_in_dim3A_149, %select_n3A_123 : vector<512x20xi1>, vector<512x20xi32>
    %scan3A_151 = arith.constant 5 : i32
    %eq3A_152 = vector.broadcast %broadcast_in_dim3A_143 : vector<512x1xf32> to vector<512x2048xf32>
    %eq3A_153 = arith.cmpf oeq, %select_n3A_140, %eq3A_152 : vector<512x2048xf32>
    %jit3A_154 = arith.constant 2048 : i32
    %broadcast_in_dim3A_155 = vector.shape_cast %iota3A : vector<1x2048xi32> to vector<1x2048xi32>
    %broadcast_in_dim3A_156 = vector.broadcast %broadcast_in_dim3A_155 : vector<1x2048xi32> to vector<512x2048xi32>
    %broadcast_in_dim3A_157 = vector.broadcast %jit3A_154 : i32 to vector<512x2048xi32>
    %select_n3A_158 = arith.select %eq3A_153, %broadcast_in_dim3A_156, %broadcast_in_dim3A_157 : vector<512x2048xi1>, vector<512x2048xi32>
    %reduce_min3A_159 = arith.constant dense<2147483647> : vector<512xi32>
    %reduce_min3A_160 = vector.multi_reduction <minsi>, %select_n3A_158, %reduce_min3A_159 [1] : vector<512x2048xi32> to vector<512xi32>
    %broadcast_in_dim3A_161 = vector.shape_cast %reduce_min3A_160 : vector<512xi32> to vector<512x1xi32>
    %eq3A_162 = vector.broadcast %iota3A : vector<1x2048xi32> to vector<512x2048xi32>
    %eq3A_163 = vector.broadcast %broadcast_in_dim3A_161 : vector<512x1xi32> to vector<512x2048xi32>
    %eq3A_164 = arith.cmpi eq, %eq3A_162, %eq3A_163 : vector<512x2048xi32>
    %jit3A_165 = arith.constant 0x7F800000 : f32
    %broadcast_in_dim3A_166 = vector.broadcast %jit3A_165 : f32 to vector<512x2048xf32>
    %select_n3A_167 = arith.select %eq3A_164, %broadcast_in_dim3A_166, %select_n3A_140 : vector<512x2048xi1>, vector<512x2048xf32>
    %reduce_min3A_168 = arith.constant dense<0x7F800000> : vector<512xf32>
    %reduce_min3A_169 = vector.multi_reduction <minimumf>, %select_n3A_167, %reduce_min3A_168 [1] : vector<512x2048xf32> to vector<512xf32>
    %broadcast_in_dim3A_170 = vector.shape_cast %reduce_min3A_169 : vector<512xf32> to vector<512x1xf32>
    %eq3A_171 = vector.broadcast %scan3A_151 : i32 to vector<1x20xi32>
    %eq3A_172 = arith.cmpi eq, %iota3A_16, %eq3A_171 : vector<1x20xi32>
    %broadcast_in_dim3A_173 = vector.shape_cast %eq3A_172 : vector<1x20xi1> to vector<1x20xi1>
    %broadcast_in_dim3A_174 = vector.broadcast %broadcast_in_dim3A_173 : vector<1x20xi1> to vector<512x20xi1>
    %broadcast_in_dim3A_175 = vector.shape_cast %broadcast_in_dim3A_161 : vector<512x1xi32> to vector<512x1xi32>
    %broadcast_in_dim3A_176 = vector.broadcast %broadcast_in_dim3A_175 : vector<512x1xi32> to vector<512x20xi32>
    %select_n3A_177 = arith.select %broadcast_in_dim3A_174, %broadcast_in_dim3A_176, %select_n3A_150 : vector<512x20xi1>, vector<512x20xi32>
    %scan3A_178 = arith.constant 6 : i32
    %eq3A_179 = vector.broadcast %broadcast_in_dim3A_170 : vector<512x1xf32> to vector<512x2048xf32>
    %eq3A_180 = arith.cmpf oeq, %select_n3A_167, %eq3A_179 : vector<512x2048xf32>
    %jit3A_181 = arith.constant 2048 : i32
    %broadcast_in_dim3A_182 = vector.shape_cast %iota3A : vector<1x2048xi32> to vector<1x2048xi32>
    %broadcast_in_dim3A_183 = vector.broadcast %broadcast_in_dim3A_182 : vector<1x2048xi32> to vector<512x2048xi32>
    %broadcast_in_dim3A_184 = vector.broadcast %jit3A_181 : i32 to vector<512x2048xi32>
    %select_n3A_185 = arith.select %eq3A_180, %broadcast_in_dim3A_183, %broadcast_in_dim3A_184 : vector<512x2048xi1>, vector<512x2048xi32>
    %reduce_min3A_186 = arith.constant dense<2147483647> : vector<512xi32>
    %reduce_min3A_187 = vector.multi_reduction <minsi>, %select_n3A_185, %reduce_min3A_186 [1] : vector<512x2048xi32> to vector<512xi32>
    %broadcast_in_dim3A_188 = vector.shape_cast %reduce_min3A_187 : vector<512xi32> to vector<512x1xi32>
    %eq3A_189 = vector.broadcast %iota3A : vector<1x2048xi32> to vector<512x2048xi32>
    %eq3A_190 = vector.broadcast %broadcast_in_dim3A_188 : vector<512x1xi32> to vector<512x2048xi32>
    %eq3A_191 = arith.cmpi eq, %eq3A_189, %eq3A_190 : vector<512x2048xi32>
    %jit3A_192 = arith.constant 0x7F800000 : f32
    %broadcast_in_dim3A_193 = vector.broadcast %jit3A_192 : f32 to vector<512x2048xf32>
    %select_n3A_194 = arith.select %eq3A_191, %broadcast_in_dim3A_193, %select_n3A_167 : vector<512x2048xi1>, vector<512x2048xf32>
    %reduce_min3A_195 = arith.constant dense<0x7F800000> : vector<512xf32>
    %reduce_min3A_196 = vector.multi_reduction <minimumf>, %select_n3A_194, %reduce_min3A_195 [1] : vector<512x2048xf32> to vector<512xf32>
    %broadcast_in_dim3A_197 = vector.shape_cast %reduce_min3A_196 : vector<512xf32> to vector<512x1xf32>
    %eq3A_198 = vector.broadcast %scan3A_178 : i32 to vector<1x20xi32>
    %eq3A_199 = arith.cmpi eq, %iota3A_16, %eq3A_198 : vector<1x20xi32>
    %broadcast_in_dim3A_200 = vector.shape_cast %eq3A_199 : vector<1x20xi1> to vector<1x20xi1>
    %broadcast_in_dim3A_201 = vector.broadcast %broadcast_in_dim3A_200 : vector<1x20xi1> to vector<512x20xi1>
    %broadcast_in_dim3A_202 = vector.shape_cast %broadcast_in_dim3A_188 : vector<512x1xi32> to vector<512x1xi32>
    %broadcast_in_dim3A_203 = vector.broadcast %broadcast_in_dim3A_202 : vector<512x1xi32> to vector<512x20xi32>
    %select_n3A_204 = arith.select %broadcast_in_dim3A_201, %broadcast_in_dim3A_203, %select_n3A_177 : vector<512x20xi1>, vector<512x20xi32>
    %scan3A_205 = arith.constant 7 : i32
    %eq3A_206 = vector.broadcast %broadcast_in_dim3A_197 : vector<512x1xf32> to vector<512x2048xf32>
    %eq3A_207 = arith.cmpf oeq, %select_n3A_194, %eq3A_206 : vector<512x2048xf32>
    %jit3A_208 = arith.constant 2048 : i32
    %broadcast_in_dim3A_209 = vector.shape_cast %iota3A : vector<1x2048xi32> to vector<1x2048xi32>
    %broadcast_in_dim3A_210 = vector.broadcast %broadcast_in_dim3A_209 : vector<1x2048xi32> to vector<512x2048xi32>
    %broadcast_in_dim3A_211 = vector.broadcast %jit3A_208 : i32 to vector<512x2048xi32>
    %select_n3A_212 = arith.select %eq3A_207, %broadcast_in_dim3A_210, %broadcast_in_dim3A_211 : vector<512x2048xi1>, vector<512x2048xi32>
    %reduce_min3A_213 = arith.constant dense<2147483647> : vector<512xi32>
    %reduce_min3A_214 = vector.multi_reduction <minsi>, %select_n3A_212, %reduce_min3A_213 [1] : vector<512x2048xi32> to vector<512xi32>
    %broadcast_in_dim3A_215 = vector.shape_cast %reduce_min3A_214 : vector<512xi32> to vector<512x1xi32>
    %eq3A_216 = vector.broadcast %iota3A : vector<1x2048xi32> to vector<512x2048xi32>
    %eq3A_217 = vector.broadcast %broadcast_in_dim3A_215 : vector<512x1xi32> to vector<512x2048xi32>
    %eq3A_218 = arith.cmpi eq, %eq3A_216, %eq3A_217 : vector<512x2048xi32>
    %jit3A_219 = arith.constant 0x7F800000 : f32
    %broadcast_in_dim3A_220 = vector.broadcast %jit3A_219 : f32 to vector<512x2048xf32>
    %select_n3A_221 = arith.select %eq3A_218, %broadcast_in_dim3A_220, %select_n3A_194 : vector<512x2048xi1>, vector<512x2048xf32>
    %reduce_min3A_222 = arith.constant dense<0x7F800000> : vector<512xf32>
    %reduce_min3A_223 = vector.multi_reduction <minimumf>, %select_n3A_221, %reduce_min3A_222 [1] : vector<512x2048xf32> to vector<512xf32>
    %broadcast_in_dim3A_224 = vector.shape_cast %reduce_min3A_223 : vector<512xf32> to vector<512x1xf32>
    %eq3A_225 = vector.broadcast %scan3A_205 : i32 to vector<1x20xi32>
    %eq3A_226 = arith.cmpi eq, %iota3A_16, %eq3A_225 : vector<1x20xi32>
    %broadcast_in_dim3A_227 = vector.shape_cast %eq3A_226 : vector<1x20xi1> to vector<1x20xi1>
    %broadcast_in_dim3A_228 = vector.broadcast %broadcast_in_dim3A_227 : vector<1x20xi1> to vector<512x20xi1>
    %broadcast_in_dim3A_229 = vector.shape_cast %broadcast_in_dim3A_215 : vector<512x1xi32> to vector<512x1xi32>
    %broadcast_in_dim3A_230 = vector.broadcast %broadcast_in_dim3A_229 : vector<512x1xi32> to vector<512x20xi32>
    %select_n3A_231 = arith.select %broadcast_in_dim3A_228, %broadcast_in_dim3A_230, %select_n3A_204 : vector<512x20xi1>, vector<512x20xi32>
    %scan3A_232 = arith.constant 8 : i32
    %eq3A_233 = vector.broadcast %broadcast_in_dim3A_224 : vector<512x1xf32> to vector<512x2048xf32>
    %eq3A_234 = arith.cmpf oeq, %select_n3A_221, %eq3A_233 : vector<512x2048xf32>
    %jit3A_235 = arith.constant 2048 : i32
    %broadcast_in_dim3A_236 = vector.shape_cast %iota3A : vector<1x2048xi32> to vector<1x2048xi32>
    %broadcast_in_dim3A_237 = vector.broadcast %broadcast_in_dim3A_236 : vector<1x2048xi32> to vector<512x2048xi32>
    %broadcast_in_dim3A_238 = vector.broadcast %jit3A_235 : i32 to vector<512x2048xi32>
    %select_n3A_239 = arith.select %eq3A_234, %broadcast_in_dim3A_237, %broadcast_in_dim3A_238 : vector<512x2048xi1>, vector<512x2048xi32>
    %reduce_min3A_240 = arith.constant dense<2147483647> : vector<512xi32>
    %reduce_min3A_241 = vector.multi_reduction <minsi>, %select_n3A_239, %reduce_min3A_240 [1] : vector<512x2048xi32> to vector<512xi32>
    %broadcast_in_dim3A_242 = vector.shape_cast %reduce_min3A_241 : vector<512xi32> to vector<512x1xi32>
    %eq3A_243 = vector.broadcast %iota3A : vector<1x2048xi32> to vector<512x2048xi32>
    %eq3A_244 = vector.broadcast %broadcast_in_dim3A_242 : vector<512x1xi32> to vector<512x2048xi32>
    %eq3A_245 = arith.cmpi eq, %eq3A_243, %eq3A_244 : vector<512x2048xi32>
    %jit3A_246 = arith.constant 0x7F800000 : f32
    %broadcast_in_dim3A_247 = vector.broadcast %jit3A_246 : f32 to vector<512x2048xf32>
    %select_n3A_248 = arith.select %eq3A_245, %broadcast_in_dim3A_247, %select_n3A_221 : vector<512x2048xi1>, vector<512x2048xf32>
    %reduce_min3A_249 = arith.constant dense<0x7F800000> : vector<512xf32>
    %reduce_min3A_250 = vector.multi_reduction <minimumf>, %select_n3A_248, %reduce_min3A_249 [1] : vector<512x2048xf32> to vector<512xf32>
    %broadcast_in_dim3A_251 = vector.shape_cast %reduce_min3A_250 : vector<512xf32> to vector<512x1xf32>
    %eq3A_252 = vector.broadcast %scan3A_232 : i32 to vector<1x20xi32>
    %eq3A_253 = arith.cmpi eq, %iota3A_16, %eq3A_252 : vector<1x20xi32>
    %broadcast_in_dim3A_254 = vector.shape_cast %eq3A_253 : vector<1x20xi1> to vector<1x20xi1>
    %broadcast_in_dim3A_255 = vector.broadcast %broadcast_in_dim3A_254 : vector<1x20xi1> to vector<512x20xi1>
    %broadcast_in_dim3A_256 = vector.shape_cast %broadcast_in_dim3A_242 : vector<512x1xi32> to vector<512x1xi32>
    %broadcast_in_dim3A_257 = vector.broadcast %broadcast_in_dim3A_256 : vector<512x1xi32> to vector<512x20xi32>
    %select_n3A_258 = arith.select %broadcast_in_dim3A_255, %broadcast_in_dim3A_257, %select_n3A_231 : vector<512x20xi1>, vector<512x20xi32>
    %scan3A_259 = arith.constant 9 : i32
    %eq3A_260 = vector.broadcast %broadcast_in_dim3A_251 : vector<512x1xf32> to vector<512x2048xf32>
    %eq3A_261 = arith.cmpf oeq, %select_n3A_248, %eq3A_260 : vector<512x2048xf32>
    %jit3A_262 = arith.constant 2048 : i32
    %broadcast_in_dim3A_263 = vector.shape_cast %iota3A : vector<1x2048xi32> to vector<1x2048xi32>
    %broadcast_in_dim3A_264 = vector.broadcast %broadcast_in_dim3A_263 : vector<1x2048xi32> to vector<512x2048xi32>
    %broadcast_in_dim3A_265 = vector.broadcast %jit3A_262 : i32 to vector<512x2048xi32>
    %select_n3A_266 = arith.select %eq3A_261, %broadcast_in_dim3A_264, %broadcast_in_dim3A_265 : vector<512x2048xi1>, vector<512x2048xi32>
    %reduce_min3A_267 = arith.constant dense<2147483647> : vector<512xi32>
    %reduce_min3A_268 = vector.multi_reduction <minsi>, %select_n3A_266, %reduce_min3A_267 [1] : vector<512x2048xi32> to vector<512xi32>
    %broadcast_in_dim3A_269 = vector.shape_cast %reduce_min3A_268 : vector<512xi32> to vector<512x1xi32>
    %eq3A_270 = vector.broadcast %iota3A : vector<1x2048xi32> to vector<512x2048xi32>
    %eq3A_271 = vector.broadcast %broadcast_in_dim3A_269 : vector<512x1xi32> to vector<512x2048xi32>
    %eq3A_272 = arith.cmpi eq, %eq3A_270, %eq3A_271 : vector<512x2048xi32>
    %jit3A_273 = arith.constant 0x7F800000 : f32
    %broadcast_in_dim3A_274 = vector.broadcast %jit3A_273 : f32 to vector<512x2048xf32>
    %select_n3A_275 = arith.select %eq3A_272, %broadcast_in_dim3A_274, %select_n3A_248 : vector<512x2048xi1>, vector<512x2048xf32>
    %reduce_min3A_276 = arith.constant dense<0x7F800000> : vector<512xf32>
    %reduce_min3A_277 = vector.multi_reduction <minimumf>, %select_n3A_275, %reduce_min3A_276 [1] : vector<512x2048xf32> to vector<512xf32>
    %broadcast_in_dim3A_278 = vector.shape_cast %reduce_min3A_277 : vector<512xf32> to vector<512x1xf32>
    %eq3A_279 = vector.broadcast %scan3A_259 : i32 to vector<1x20xi32>
    %eq3A_280 = arith.cmpi eq, %iota3A_16, %eq3A_279 : vector<1x20xi32>
    %broadcast_in_dim3A_281 = vector.shape_cast %eq3A_280 : vector<1x20xi1> to vector<1x20xi1>
    %broadcast_in_dim3A_282 = vector.broadcast %broadcast_in_dim3A_281 : vector<1x20xi1> to vector<512x20xi1>
    %broadcast_in_dim3A_283 = vector.shape_cast %broadcast_in_dim3A_269 : vector<512x1xi32> to vector<512x1xi32>
    %broadcast_in_dim3A_284 = vector.broadcast %broadcast_in_dim3A_283 : vector<512x1xi32> to vector<512x20xi32>
    %select_n3A_285 = arith.select %broadcast_in_dim3A_282, %broadcast_in_dim3A_284, %select_n3A_258 : vector<512x20xi1>, vector<512x20xi32>
    %scan3A_286 = arith.constant 10 : i32
    %eq3A_287 = vector.broadcast %broadcast_in_dim3A_278 : vector<512x1xf32> to vector<512x2048xf32>
    %eq3A_288 = arith.cmpf oeq, %select_n3A_275, %eq3A_287 : vector<512x2048xf32>
    %jit3A_289 = arith.constant 2048 : i32
    %broadcast_in_dim3A_290 = vector.shape_cast %iota3A : vector<1x2048xi32> to vector<1x2048xi32>
    %broadcast_in_dim3A_291 = vector.broadcast %broadcast_in_dim3A_290 : vector<1x2048xi32> to vector<512x2048xi32>
    %broadcast_in_dim3A_292 = vector.broadcast %jit3A_289 : i32 to vector<512x2048xi32>
    %select_n3A_293 = arith.select %eq3A_288, %broadcast_in_dim3A_291, %broadcast_in_dim3A_292 : vector<512x2048xi1>, vector<512x2048xi32>
    %reduce_min3A_294 = arith.constant dense<2147483647> : vector<512xi32>
    %reduce_min3A_295 = vector.multi_reduction <minsi>, %select_n3A_293, %reduce_min3A_294 [1] : vector<512x2048xi32> to vector<512xi32>
    %broadcast_in_dim3A_296 = vector.shape_cast %reduce_min3A_295 : vector<512xi32> to vector<512x1xi32>
    %eq3A_297 = vector.broadcast %iota3A : vector<1x2048xi32> to vector<512x2048xi32>
    %eq3A_298 = vector.broadcast %broadcast_in_dim3A_296 : vector<512x1xi32> to vector<512x2048xi32>
    %eq3A_299 = arith.cmpi eq, %eq3A_297, %eq3A_298 : vector<512x2048xi32>
    %jit3A_300 = arith.constant 0x7F800000 : f32
    %broadcast_in_dim3A_301 = vector.broadcast %jit3A_300 : f32 to vector<512x2048xf32>
    %select_n3A_302 = arith.select %eq3A_299, %broadcast_in_dim3A_301, %select_n3A_275 : vector<512x2048xi1>, vector<512x2048xf32>
    %reduce_min3A_303 = arith.constant dense<0x7F800000> : vector<512xf32>
    %reduce_min3A_304 = vector.multi_reduction <minimumf>, %select_n3A_302, %reduce_min3A_303 [1] : vector<512x2048xf32> to vector<512xf32>
    %broadcast_in_dim3A_305 = vector.shape_cast %reduce_min3A_304 : vector<512xf32> to vector<512x1xf32>
    %eq3A_306 = vector.broadcast %scan3A_286 : i32 to vector<1x20xi32>
    %eq3A_307 = arith.cmpi eq, %iota3A_16, %eq3A_306 : vector<1x20xi32>
    %broadcast_in_dim3A_308 = vector.shape_cast %eq3A_307 : vector<1x20xi1> to vector<1x20xi1>
    %broadcast_in_dim3A_309 = vector.broadcast %broadcast_in_dim3A_308 : vector<1x20xi1> to vector<512x20xi1>
    %broadcast_in_dim3A_310 = vector.shape_cast %broadcast_in_dim3A_296 : vector<512x1xi32> to vector<512x1xi32>
    %broadcast_in_dim3A_311 = vector.broadcast %broadcast_in_dim3A_310 : vector<512x1xi32> to vector<512x20xi32>
    %select_n3A_312 = arith.select %broadcast_in_dim3A_309, %broadcast_in_dim3A_311, %select_n3A_285 : vector<512x20xi1>, vector<512x20xi32>
    %scan3A_313 = arith.constant 11 : i32
    %eq3A_314 = vector.broadcast %broadcast_in_dim3A_305 : vector<512x1xf32> to vector<512x2048xf32>
    %eq3A_315 = arith.cmpf oeq, %select_n3A_302, %eq3A_314 : vector<512x2048xf32>
    %jit3A_316 = arith.constant 2048 : i32
    %broadcast_in_dim3A_317 = vector.shape_cast %iota3A : vector<1x2048xi32> to vector<1x2048xi32>
    %broadcast_in_dim3A_318 = vector.broadcast %broadcast_in_dim3A_317 : vector<1x2048xi32> to vector<512x2048xi32>
    %broadcast_in_dim3A_319 = vector.broadcast %jit3A_316 : i32 to vector<512x2048xi32>
    %select_n3A_320 = arith.select %eq3A_315, %broadcast_in_dim3A_318, %broadcast_in_dim3A_319 : vector<512x2048xi1>, vector<512x2048xi32>
    %reduce_min3A_321 = arith.constant dense<2147483647> : vector<512xi32>
    %reduce_min3A_322 = vector.multi_reduction <minsi>, %select_n3A_320, %reduce_min3A_321 [1] : vector<512x2048xi32> to vector<512xi32>
    %broadcast_in_dim3A_323 = vector.shape_cast %reduce_min3A_322 : vector<512xi32> to vector<512x1xi32>
    %eq3A_324 = vector.broadcast %iota3A : vector<1x2048xi32> to vector<512x2048xi32>
    %eq3A_325 = vector.broadcast %broadcast_in_dim3A_323 : vector<512x1xi32> to vector<512x2048xi32>
    %eq3A_326 = arith.cmpi eq, %eq3A_324, %eq3A_325 : vector<512x2048xi32>
    %jit3A_327 = arith.constant 0x7F800000 : f32
    %broadcast_in_dim3A_328 = vector.broadcast %jit3A_327 : f32 to vector<512x2048xf32>
    %select_n3A_329 = arith.select %eq3A_326, %broadcast_in_dim3A_328, %select_n3A_302 : vector<512x2048xi1>, vector<512x2048xf32>
    %reduce_min3A_330 = arith.constant dense<0x7F800000> : vector<512xf32>
    %reduce_min3A_331 = vector.multi_reduction <minimumf>, %select_n3A_329, %reduce_min3A_330 [1] : vector<512x2048xf32> to vector<512xf32>
    %broadcast_in_dim3A_332 = vector.shape_cast %reduce_min3A_331 : vector<512xf32> to vector<512x1xf32>
    %eq3A_333 = vector.broadcast %scan3A_313 : i32 to vector<1x20xi32>
    %eq3A_334 = arith.cmpi eq, %iota3A_16, %eq3A_333 : vector<1x20xi32>
    %broadcast_in_dim3A_335 = vector.shape_cast %eq3A_334 : vector<1x20xi1> to vector<1x20xi1>
    %broadcast_in_dim3A_336 = vector.broadcast %broadcast_in_dim3A_335 : vector<1x20xi1> to vector<512x20xi1>
    %broadcast_in_dim3A_337 = vector.shape_cast %broadcast_in_dim3A_323 : vector<512x1xi32> to vector<512x1xi32>
    %broadcast_in_dim3A_338 = vector.broadcast %broadcast_in_dim3A_337 : vector<512x1xi32> to vector<512x20xi32>
    %select_n3A_339 = arith.select %broadcast_in_dim3A_336, %broadcast_in_dim3A_338, %select_n3A_312 : vector<512x20xi1>, vector<512x20xi32>
    %scan3A_340 = arith.constant 12 : i32
    %eq3A_341 = vector.broadcast %broadcast_in_dim3A_332 : vector<512x1xf32> to vector<512x2048xf32>
    %eq3A_342 = arith.cmpf oeq, %select_n3A_329, %eq3A_341 : vector<512x2048xf32>
    %jit3A_343 = arith.constant 2048 : i32
    %broadcast_in_dim3A_344 = vector.shape_cast %iota3A : vector<1x2048xi32> to vector<1x2048xi32>
    %broadcast_in_dim3A_345 = vector.broadcast %broadcast_in_dim3A_344 : vector<1x2048xi32> to vector<512x2048xi32>
    %broadcast_in_dim3A_346 = vector.broadcast %jit3A_343 : i32 to vector<512x2048xi32>
    %select_n3A_347 = arith.select %eq3A_342, %broadcast_in_dim3A_345, %broadcast_in_dim3A_346 : vector<512x2048xi1>, vector<512x2048xi32>
    %reduce_min3A_348 = arith.constant dense<2147483647> : vector<512xi32>
    %reduce_min3A_349 = vector.multi_reduction <minsi>, %select_n3A_347, %reduce_min3A_348 [1] : vector<512x2048xi32> to vector<512xi32>
    %broadcast_in_dim3A_350 = vector.shape_cast %reduce_min3A_349 : vector<512xi32> to vector<512x1xi32>
    %eq3A_351 = vector.broadcast %iota3A : vector<1x2048xi32> to vector<512x2048xi32>
    %eq3A_352 = vector.broadcast %broadcast_in_dim3A_350 : vector<512x1xi32> to vector<512x2048xi32>
    %eq3A_353 = arith.cmpi eq, %eq3A_351, %eq3A_352 : vector<512x2048xi32>
    %jit3A_354 = arith.constant 0x7F800000 : f32
    %broadcast_in_dim3A_355 = vector.broadcast %jit3A_354 : f32 to vector<512x2048xf32>
    %select_n3A_356 = arith.select %eq3A_353, %broadcast_in_dim3A_355, %select_n3A_329 : vector<512x2048xi1>, vector<512x2048xf32>
    %reduce_min3A_357 = arith.constant dense<0x7F800000> : vector<512xf32>
    %reduce_min3A_358 = vector.multi_reduction <minimumf>, %select_n3A_356, %reduce_min3A_357 [1] : vector<512x2048xf32> to vector<512xf32>
    %broadcast_in_dim3A_359 = vector.shape_cast %reduce_min3A_358 : vector<512xf32> to vector<512x1xf32>
    %eq3A_360 = vector.broadcast %scan3A_340 : i32 to vector<1x20xi32>
    %eq3A_361 = arith.cmpi eq, %iota3A_16, %eq3A_360 : vector<1x20xi32>
    %broadcast_in_dim3A_362 = vector.shape_cast %eq3A_361 : vector<1x20xi1> to vector<1x20xi1>
    %broadcast_in_dim3A_363 = vector.broadcast %broadcast_in_dim3A_362 : vector<1x20xi1> to vector<512x20xi1>
    %broadcast_in_dim3A_364 = vector.shape_cast %broadcast_in_dim3A_350 : vector<512x1xi32> to vector<512x1xi32>
    %broadcast_in_dim3A_365 = vector.broadcast %broadcast_in_dim3A_364 : vector<512x1xi32> to vector<512x20xi32>
    %select_n3A_366 = arith.select %broadcast_in_dim3A_363, %broadcast_in_dim3A_365, %select_n3A_339 : vector<512x20xi1>, vector<512x20xi32>
    %scan3A_367 = arith.constant 13 : i32
    %eq3A_368 = vector.broadcast %broadcast_in_dim3A_359 : vector<512x1xf32> to vector<512x2048xf32>
    %eq3A_369 = arith.cmpf oeq, %select_n3A_356, %eq3A_368 : vector<512x2048xf32>
    %jit3A_370 = arith.constant 2048 : i32
    %broadcast_in_dim3A_371 = vector.shape_cast %iota3A : vector<1x2048xi32> to vector<1x2048xi32>
    %broadcast_in_dim3A_372 = vector.broadcast %broadcast_in_dim3A_371 : vector<1x2048xi32> to vector<512x2048xi32>
    %broadcast_in_dim3A_373 = vector.broadcast %jit3A_370 : i32 to vector<512x2048xi32>
    %select_n3A_374 = arith.select %eq3A_369, %broadcast_in_dim3A_372, %broadcast_in_dim3A_373 : vector<512x2048xi1>, vector<512x2048xi32>
    %reduce_min3A_375 = arith.constant dense<2147483647> : vector<512xi32>
    %reduce_min3A_376 = vector.multi_reduction <minsi>, %select_n3A_374, %reduce_min3A_375 [1] : vector<512x2048xi32> to vector<512xi32>
    %broadcast_in_dim3A_377 = vector.shape_cast %reduce_min3A_376 : vector<512xi32> to vector<512x1xi32>
    %eq3A_378 = vector.broadcast %iota3A : vector<1x2048xi32> to vector<512x2048xi32>
    %eq3A_379 = vector.broadcast %broadcast_in_dim3A_377 : vector<512x1xi32> to vector<512x2048xi32>
    %eq3A_380 = arith.cmpi eq, %eq3A_378, %eq3A_379 : vector<512x2048xi32>
    %jit3A_381 = arith.constant 0x7F800000 : f32
    %broadcast_in_dim3A_382 = vector.broadcast %jit3A_381 : f32 to vector<512x2048xf32>
    %select_n3A_383 = arith.select %eq3A_380, %broadcast_in_dim3A_382, %select_n3A_356 : vector<512x2048xi1>, vector<512x2048xf32>
    %reduce_min3A_384 = arith.constant dense<0x7F800000> : vector<512xf32>
    %reduce_min3A_385 = vector.multi_reduction <minimumf>, %select_n3A_383, %reduce_min3A_384 [1] : vector<512x2048xf32> to vector<512xf32>
    %broadcast_in_dim3A_386 = vector.shape_cast %reduce_min3A_385 : vector<512xf32> to vector<512x1xf32>
    %eq3A_387 = vector.broadcast %scan3A_367 : i32 to vector<1x20xi32>
    %eq3A_388 = arith.cmpi eq, %iota3A_16, %eq3A_387 : vector<1x20xi32>
    %broadcast_in_dim3A_389 = vector.shape_cast %eq3A_388 : vector<1x20xi1> to vector<1x20xi1>
    %broadcast_in_dim3A_390 = vector.broadcast %broadcast_in_dim3A_389 : vector<1x20xi1> to vector<512x20xi1>
    %broadcast_in_dim3A_391 = vector.shape_cast %broadcast_in_dim3A_377 : vector<512x1xi32> to vector<512x1xi32>
    %broadcast_in_dim3A_392 = vector.broadcast %broadcast_in_dim3A_391 : vector<512x1xi32> to vector<512x20xi32>
    %select_n3A_393 = arith.select %broadcast_in_dim3A_390, %broadcast_in_dim3A_392, %select_n3A_366 : vector<512x20xi1>, vector<512x20xi32>
    %scan3A_394 = arith.constant 14 : i32
    %eq3A_395 = vector.broadcast %broadcast_in_dim3A_386 : vector<512x1xf32> to vector<512x2048xf32>
    %eq3A_396 = arith.cmpf oeq, %select_n3A_383, %eq3A_395 : vector<512x2048xf32>
    %jit3A_397 = arith.constant 2048 : i32
    %broadcast_in_dim3A_398 = vector.shape_cast %iota3A : vector<1x2048xi32> to vector<1x2048xi32>
    %broadcast_in_dim3A_399 = vector.broadcast %broadcast_in_dim3A_398 : vector<1x2048xi32> to vector<512x2048xi32>
    %broadcast_in_dim3A_400 = vector.broadcast %jit3A_397 : i32 to vector<512x2048xi32>
    %select_n3A_401 = arith.select %eq3A_396, %broadcast_in_dim3A_399, %broadcast_in_dim3A_400 : vector<512x2048xi1>, vector<512x2048xi32>
    %reduce_min3A_402 = arith.constant dense<2147483647> : vector<512xi32>
    %reduce_min3A_403 = vector.multi_reduction <minsi>, %select_n3A_401, %reduce_min3A_402 [1] : vector<512x2048xi32> to vector<512xi32>
    %broadcast_in_dim3A_404 = vector.shape_cast %reduce_min3A_403 : vector<512xi32> to vector<512x1xi32>
    %eq3A_405 = vector.broadcast %iota3A : vector<1x2048xi32> to vector<512x2048xi32>
    %eq3A_406 = vector.broadcast %broadcast_in_dim3A_404 : vector<512x1xi32> to vector<512x2048xi32>
    %eq3A_407 = arith.cmpi eq, %eq3A_405, %eq3A_406 : vector<512x2048xi32>
    %jit3A_408 = arith.constant 0x7F800000 : f32
    %broadcast_in_dim3A_409 = vector.broadcast %jit3A_408 : f32 to vector<512x2048xf32>
    %select_n3A_410 = arith.select %eq3A_407, %broadcast_in_dim3A_409, %select_n3A_383 : vector<512x2048xi1>, vector<512x2048xf32>
    %reduce_min3A_411 = arith.constant dense<0x7F800000> : vector<512xf32>
    %reduce_min3A_412 = vector.multi_reduction <minimumf>, %select_n3A_410, %reduce_min3A_411 [1] : vector<512x2048xf32> to vector<512xf32>
    %broadcast_in_dim3A_413 = vector.shape_cast %reduce_min3A_412 : vector<512xf32> to vector<512x1xf32>
    %eq3A_414 = vector.broadcast %scan3A_394 : i32 to vector<1x20xi32>
    %eq3A_415 = arith.cmpi eq, %iota3A_16, %eq3A_414 : vector<1x20xi32>
    %broadcast_in_dim3A_416 = vector.shape_cast %eq3A_415 : vector<1x20xi1> to vector<1x20xi1>
    %broadcast_in_dim3A_417 = vector.broadcast %broadcast_in_dim3A_416 : vector<1x20xi1> to vector<512x20xi1>
    %broadcast_in_dim3A_418 = vector.shape_cast %broadcast_in_dim3A_404 : vector<512x1xi32> to vector<512x1xi32>
    %broadcast_in_dim3A_419 = vector.broadcast %broadcast_in_dim3A_418 : vector<512x1xi32> to vector<512x20xi32>
    %select_n3A_420 = arith.select %broadcast_in_dim3A_417, %broadcast_in_dim3A_419, %select_n3A_393 : vector<512x20xi1>, vector<512x20xi32>
    %scan3A_421 = arith.constant 15 : i32
    %eq3A_422 = vector.broadcast %broadcast_in_dim3A_413 : vector<512x1xf32> to vector<512x2048xf32>
    %eq3A_423 = arith.cmpf oeq, %select_n3A_410, %eq3A_422 : vector<512x2048xf32>
    %jit3A_424 = arith.constant 2048 : i32
    %broadcast_in_dim3A_425 = vector.shape_cast %iota3A : vector<1x2048xi32> to vector<1x2048xi32>
    %broadcast_in_dim3A_426 = vector.broadcast %broadcast_in_dim3A_425 : vector<1x2048xi32> to vector<512x2048xi32>
    %broadcast_in_dim3A_427 = vector.broadcast %jit3A_424 : i32 to vector<512x2048xi32>
    %select_n3A_428 = arith.select %eq3A_423, %broadcast_in_dim3A_426, %broadcast_in_dim3A_427 : vector<512x2048xi1>, vector<512x2048xi32>
    %reduce_min3A_429 = arith.constant dense<2147483647> : vector<512xi32>
    %reduce_min3A_430 = vector.multi_reduction <minsi>, %select_n3A_428, %reduce_min3A_429 [1] : vector<512x2048xi32> to vector<512xi32>
    %broadcast_in_dim3A_431 = vector.shape_cast %reduce_min3A_430 : vector<512xi32> to vector<512x1xi32>
    %eq3A_432 = vector.broadcast %iota3A : vector<1x2048xi32> to vector<512x2048xi32>
    %eq3A_433 = vector.broadcast %broadcast_in_dim3A_431 : vector<512x1xi32> to vector<512x2048xi32>
    %eq3A_434 = arith.cmpi eq, %eq3A_432, %eq3A_433 : vector<512x2048xi32>
    %jit3A_435 = arith.constant 0x7F800000 : f32
    %broadcast_in_dim3A_436 = vector.broadcast %jit3A_435 : f32 to vector<512x2048xf32>
    %select_n3A_437 = arith.select %eq3A_434, %broadcast_in_dim3A_436, %select_n3A_410 : vector<512x2048xi1>, vector<512x2048xf32>
    %reduce_min3A_438 = arith.constant dense<0x7F800000> : vector<512xf32>
    %reduce_min3A_439 = vector.multi_reduction <minimumf>, %select_n3A_437, %reduce_min3A_438 [1] : vector<512x2048xf32> to vector<512xf32>
    %broadcast_in_dim3A_440 = vector.shape_cast %reduce_min3A_439 : vector<512xf32> to vector<512x1xf32>
    %eq3A_441 = vector.broadcast %scan3A_421 : i32 to vector<1x20xi32>
    %eq3A_442 = arith.cmpi eq, %iota3A_16, %eq3A_441 : vector<1x20xi32>
    %broadcast_in_dim3A_443 = vector.shape_cast %eq3A_442 : vector<1x20xi1> to vector<1x20xi1>
    %broadcast_in_dim3A_444 = vector.broadcast %broadcast_in_dim3A_443 : vector<1x20xi1> to vector<512x20xi1>
    %broadcast_in_dim3A_445 = vector.shape_cast %broadcast_in_dim3A_431 : vector<512x1xi32> to vector<512x1xi32>
    %broadcast_in_dim3A_446 = vector.broadcast %broadcast_in_dim3A_445 : vector<512x1xi32> to vector<512x20xi32>
    %select_n3A_447 = arith.select %broadcast_in_dim3A_444, %broadcast_in_dim3A_446, %select_n3A_420 : vector<512x20xi1>, vector<512x20xi32>
    %scan3A_448 = arith.constant 16 : i32
    %eq3A_449 = vector.broadcast %broadcast_in_dim3A_440 : vector<512x1xf32> to vector<512x2048xf32>
    %eq3A_450 = arith.cmpf oeq, %select_n3A_437, %eq3A_449 : vector<512x2048xf32>
    %jit3A_451 = arith.constant 2048 : i32
    %broadcast_in_dim3A_452 = vector.shape_cast %iota3A : vector<1x2048xi32> to vector<1x2048xi32>
    %broadcast_in_dim3A_453 = vector.broadcast %broadcast_in_dim3A_452 : vector<1x2048xi32> to vector<512x2048xi32>
    %broadcast_in_dim3A_454 = vector.broadcast %jit3A_451 : i32 to vector<512x2048xi32>
    %select_n3A_455 = arith.select %eq3A_450, %broadcast_in_dim3A_453, %broadcast_in_dim3A_454 : vector<512x2048xi1>, vector<512x2048xi32>
    %reduce_min3A_456 = arith.constant dense<2147483647> : vector<512xi32>
    %reduce_min3A_457 = vector.multi_reduction <minsi>, %select_n3A_455, %reduce_min3A_456 [1] : vector<512x2048xi32> to vector<512xi32>
    %broadcast_in_dim3A_458 = vector.shape_cast %reduce_min3A_457 : vector<512xi32> to vector<512x1xi32>
    %eq3A_459 = vector.broadcast %iota3A : vector<1x2048xi32> to vector<512x2048xi32>
    %eq3A_460 = vector.broadcast %broadcast_in_dim3A_458 : vector<512x1xi32> to vector<512x2048xi32>
    %eq3A_461 = arith.cmpi eq, %eq3A_459, %eq3A_460 : vector<512x2048xi32>
    %jit3A_462 = arith.constant 0x7F800000 : f32
    %broadcast_in_dim3A_463 = vector.broadcast %jit3A_462 : f32 to vector<512x2048xf32>
    %select_n3A_464 = arith.select %eq3A_461, %broadcast_in_dim3A_463, %select_n3A_437 : vector<512x2048xi1>, vector<512x2048xf32>
    %reduce_min3A_465 = arith.constant dense<0x7F800000> : vector<512xf32>
    %reduce_min3A_466 = vector.multi_reduction <minimumf>, %select_n3A_464, %reduce_min3A_465 [1] : vector<512x2048xf32> to vector<512xf32>
    %broadcast_in_dim3A_467 = vector.shape_cast %reduce_min3A_466 : vector<512xf32> to vector<512x1xf32>
    %eq3A_468 = vector.broadcast %scan3A_448 : i32 to vector<1x20xi32>
    %eq3A_469 = arith.cmpi eq, %iota3A_16, %eq3A_468 : vector<1x20xi32>
    %broadcast_in_dim3A_470 = vector.shape_cast %eq3A_469 : vector<1x20xi1> to vector<1x20xi1>
    %broadcast_in_dim3A_471 = vector.broadcast %broadcast_in_dim3A_470 : vector<1x20xi1> to vector<512x20xi1>
    %broadcast_in_dim3A_472 = vector.shape_cast %broadcast_in_dim3A_458 : vector<512x1xi32> to vector<512x1xi32>
    %broadcast_in_dim3A_473 = vector.broadcast %broadcast_in_dim3A_472 : vector<512x1xi32> to vector<512x20xi32>
    %select_n3A_474 = arith.select %broadcast_in_dim3A_471, %broadcast_in_dim3A_473, %select_n3A_447 : vector<512x20xi1>, vector<512x20xi32>
    %scan3A_475 = arith.constant 17 : i32
    %eq3A_476 = vector.broadcast %broadcast_in_dim3A_467 : vector<512x1xf32> to vector<512x2048xf32>
    %eq3A_477 = arith.cmpf oeq, %select_n3A_464, %eq3A_476 : vector<512x2048xf32>
    %jit3A_478 = arith.constant 2048 : i32
    %broadcast_in_dim3A_479 = vector.shape_cast %iota3A : vector<1x2048xi32> to vector<1x2048xi32>
    %broadcast_in_dim3A_480 = vector.broadcast %broadcast_in_dim3A_479 : vector<1x2048xi32> to vector<512x2048xi32>
    %broadcast_in_dim3A_481 = vector.broadcast %jit3A_478 : i32 to vector<512x2048xi32>
    %select_n3A_482 = arith.select %eq3A_477, %broadcast_in_dim3A_480, %broadcast_in_dim3A_481 : vector<512x2048xi1>, vector<512x2048xi32>
    %reduce_min3A_483 = arith.constant dense<2147483647> : vector<512xi32>
    %reduce_min3A_484 = vector.multi_reduction <minsi>, %select_n3A_482, %reduce_min3A_483 [1] : vector<512x2048xi32> to vector<512xi32>
    %broadcast_in_dim3A_485 = vector.shape_cast %reduce_min3A_484 : vector<512xi32> to vector<512x1xi32>
    %eq3A_486 = vector.broadcast %iota3A : vector<1x2048xi32> to vector<512x2048xi32>
    %eq3A_487 = vector.broadcast %broadcast_in_dim3A_485 : vector<512x1xi32> to vector<512x2048xi32>
    %eq3A_488 = arith.cmpi eq, %eq3A_486, %eq3A_487 : vector<512x2048xi32>
    %jit3A_489 = arith.constant 0x7F800000 : f32
    %broadcast_in_dim3A_490 = vector.broadcast %jit3A_489 : f32 to vector<512x2048xf32>
    %select_n3A_491 = arith.select %eq3A_488, %broadcast_in_dim3A_490, %select_n3A_464 : vector<512x2048xi1>, vector<512x2048xf32>
    %reduce_min3A_492 = arith.constant dense<0x7F800000> : vector<512xf32>
    %reduce_min3A_493 = vector.multi_reduction <minimumf>, %select_n3A_491, %reduce_min3A_492 [1] : vector<512x2048xf32> to vector<512xf32>
    %broadcast_in_dim3A_494 = vector.shape_cast %reduce_min3A_493 : vector<512xf32> to vector<512x1xf32>
    %eq3A_495 = vector.broadcast %scan3A_475 : i32 to vector<1x20xi32>
    %eq3A_496 = arith.cmpi eq, %iota3A_16, %eq3A_495 : vector<1x20xi32>
    %broadcast_in_dim3A_497 = vector.shape_cast %eq3A_496 : vector<1x20xi1> to vector<1x20xi1>
    %broadcast_in_dim3A_498 = vector.broadcast %broadcast_in_dim3A_497 : vector<1x20xi1> to vector<512x20xi1>
    %broadcast_in_dim3A_499 = vector.shape_cast %broadcast_in_dim3A_485 : vector<512x1xi32> to vector<512x1xi32>
    %broadcast_in_dim3A_500 = vector.broadcast %broadcast_in_dim3A_499 : vector<512x1xi32> to vector<512x20xi32>
    %select_n3A_501 = arith.select %broadcast_in_dim3A_498, %broadcast_in_dim3A_500, %select_n3A_474 : vector<512x20xi1>, vector<512x20xi32>
    %scan3A_502 = arith.constant 18 : i32
    %eq3A_503 = vector.broadcast %broadcast_in_dim3A_494 : vector<512x1xf32> to vector<512x2048xf32>
    %eq3A_504 = arith.cmpf oeq, %select_n3A_491, %eq3A_503 : vector<512x2048xf32>
    %jit3A_505 = arith.constant 2048 : i32
    %broadcast_in_dim3A_506 = vector.shape_cast %iota3A : vector<1x2048xi32> to vector<1x2048xi32>
    %broadcast_in_dim3A_507 = vector.broadcast %broadcast_in_dim3A_506 : vector<1x2048xi32> to vector<512x2048xi32>
    %broadcast_in_dim3A_508 = vector.broadcast %jit3A_505 : i32 to vector<512x2048xi32>
    %select_n3A_509 = arith.select %eq3A_504, %broadcast_in_dim3A_507, %broadcast_in_dim3A_508 : vector<512x2048xi1>, vector<512x2048xi32>
    %reduce_min3A_510 = arith.constant dense<2147483647> : vector<512xi32>
    %reduce_min3A_511 = vector.multi_reduction <minsi>, %select_n3A_509, %reduce_min3A_510 [1] : vector<512x2048xi32> to vector<512xi32>
    %broadcast_in_dim3A_512 = vector.shape_cast %reduce_min3A_511 : vector<512xi32> to vector<512x1xi32>
    %eq3A_513 = vector.broadcast %iota3A : vector<1x2048xi32> to vector<512x2048xi32>
    %eq3A_514 = vector.broadcast %broadcast_in_dim3A_512 : vector<512x1xi32> to vector<512x2048xi32>
    %eq3A_515 = arith.cmpi eq, %eq3A_513, %eq3A_514 : vector<512x2048xi32>
    %jit3A_516 = arith.constant 0x7F800000 : f32
    %broadcast_in_dim3A_517 = vector.broadcast %jit3A_516 : f32 to vector<512x2048xf32>
    %select_n3A_518 = arith.select %eq3A_515, %broadcast_in_dim3A_517, %select_n3A_491 : vector<512x2048xi1>, vector<512x2048xf32>
    %reduce_min3A_519 = arith.constant dense<0x7F800000> : vector<512xf32>
    %reduce_min3A_520 = vector.multi_reduction <minimumf>, %select_n3A_518, %reduce_min3A_519 [1] : vector<512x2048xf32> to vector<512xf32>
    %broadcast_in_dim3A_521 = vector.shape_cast %reduce_min3A_520 : vector<512xf32> to vector<512x1xf32>
    %eq3A_522 = vector.broadcast %scan3A_502 : i32 to vector<1x20xi32>
    %eq3A_523 = arith.cmpi eq, %iota3A_16, %eq3A_522 : vector<1x20xi32>
    %broadcast_in_dim3A_524 = vector.shape_cast %eq3A_523 : vector<1x20xi1> to vector<1x20xi1>
    %broadcast_in_dim3A_525 = vector.broadcast %broadcast_in_dim3A_524 : vector<1x20xi1> to vector<512x20xi1>
    %broadcast_in_dim3A_526 = vector.shape_cast %broadcast_in_dim3A_512 : vector<512x1xi32> to vector<512x1xi32>
    %broadcast_in_dim3A_527 = vector.broadcast %broadcast_in_dim3A_526 : vector<512x1xi32> to vector<512x20xi32>
    %select_n3A_528 = arith.select %broadcast_in_dim3A_525, %broadcast_in_dim3A_527, %select_n3A_501 : vector<512x20xi1>, vector<512x20xi32>
    %scan3A_529 = arith.constant 19 : i32
    %eq3A_530 = vector.broadcast %broadcast_in_dim3A_521 : vector<512x1xf32> to vector<512x2048xf32>
    %eq3A_531 = arith.cmpf oeq, %select_n3A_518, %eq3A_530 : vector<512x2048xf32>
    %jit3A_532 = arith.constant 2048 : i32
    %broadcast_in_dim3A_533 = vector.shape_cast %iota3A : vector<1x2048xi32> to vector<1x2048xi32>
    %broadcast_in_dim3A_534 = vector.broadcast %broadcast_in_dim3A_533 : vector<1x2048xi32> to vector<512x2048xi32>
    %broadcast_in_dim3A_535 = vector.broadcast %jit3A_532 : i32 to vector<512x2048xi32>
    %select_n3A_536 = arith.select %eq3A_531, %broadcast_in_dim3A_534, %broadcast_in_dim3A_535 : vector<512x2048xi1>, vector<512x2048xi32>
    %reduce_min3A_537 = arith.constant dense<2147483647> : vector<512xi32>
    %reduce_min3A_538 = vector.multi_reduction <minsi>, %select_n3A_536, %reduce_min3A_537 [1] : vector<512x2048xi32> to vector<512xi32>
    %broadcast_in_dim3A_539 = vector.shape_cast %reduce_min3A_538 : vector<512xi32> to vector<512x1xi32>
    %eq3A_540 = vector.broadcast %iota3A : vector<1x2048xi32> to vector<512x2048xi32>
    %eq3A_541 = vector.broadcast %broadcast_in_dim3A_539 : vector<512x1xi32> to vector<512x2048xi32>
    %eq3A_542 = arith.cmpi eq, %eq3A_540, %eq3A_541 : vector<512x2048xi32>
    %jit3A_543 = arith.constant 0x7F800000 : f32
    %broadcast_in_dim3A_544 = vector.broadcast %jit3A_543 : f32 to vector<512x2048xf32>
    %select_n3A_545 = arith.select %eq3A_542, %broadcast_in_dim3A_544, %select_n3A_518 : vector<512x2048xi1>, vector<512x2048xf32>
    %reduce_min3A_546 = arith.constant dense<0x7F800000> : vector<512xf32>
    %reduce_min3A_547 = vector.multi_reduction <minimumf>, %select_n3A_545, %reduce_min3A_546 [1] : vector<512x2048xf32> to vector<512xf32>
    %broadcast_in_dim3A_548 = vector.shape_cast %reduce_min3A_547 : vector<512xf32> to vector<512x1xf32>
    %eq3A_549 = vector.broadcast %scan3A_529 : i32 to vector<1x20xi32>
    %eq3A_550 = arith.cmpi eq, %iota3A_16, %eq3A_549 : vector<1x20xi32>
    %broadcast_in_dim3A_551 = vector.shape_cast %eq3A_550 : vector<1x20xi1> to vector<1x20xi1>
    %broadcast_in_dim3A_552 = vector.broadcast %broadcast_in_dim3A_551 : vector<1x20xi1> to vector<512x20xi1>
    %broadcast_in_dim3A_553 = vector.shape_cast %broadcast_in_dim3A_539 : vector<512x1xi32> to vector<512x1xi32>
    %broadcast_in_dim3A_554 = vector.broadcast %broadcast_in_dim3A_553 : vector<512x1xi32> to vector<512x20xi32>
    %select_n3A_555 = arith.select %broadcast_in_dim3A_552, %broadcast_in_dim3A_554, %select_n3A_528 : vector<512x20xi1>, vector<512x20xi32>
    %scan3A_556 = arith.constant 20 : i32
    %swap3A = arith.constant 0 : index
    %swap3A_557 = arith.constant 0 : index
    %swap3A_558 = arith.constant 0 : index
    %swap3A_559 = vector.load %arg5[%swap3A, %swap3A_557, %swap3A_558] : memref<1x512x20xi32, #tpu.memory_space<vmem>>, vector<1x512x20xi32>
    %swap3A_560 = vector.shape_cast %swap3A_559 : vector<1x512x20xi32> to vector<512x20xi32>
    %swap3A_561 = vector.shape_cast %select_n3A_555 : vector<512x20xi32> to vector<1x512x20xi32>
    tpu.vector_store %arg5[%swap3A, %swap3A_557, %swap3A_558], %swap3A_561 {strides = array<i32>} : memref<1x512x20xi32, #tpu.memory_space<vmem>>, vector<1x512x20xi32>,
    return
  }
  func.func @transform_0(%arg0: i32, %arg1: i32) -> (i32, i32, i32) {
    %c0_i32 = arith.constant 0 : i32
    %c0_i32_0 = arith.constant 0 : i32
    %c0_i32_1 = arith.constant 0 : i32
    return %arg0, %c0_i32, %c0_i32_0 : i32, i32, i32
  }
  func.func @transform_1(%arg0: i32, %arg1: i32) -> (i32, i32, i32) {
    %c0_i32 = arith.constant 0 : i32
    %c0_i32_0 = arith.constant 0 : i32
    return %arg0, %arg1, %c0_i32 : i32, i32, i32
  }
  func.func @transform_2(%arg0: i32, %arg1: i32) -> (i32, i32, i32) {
    %c0_i32 = arith.constant 0 : i32
    %c0_i32_0 = arith.constant 0 : i32
    return %arg0, %arg1, %c0_i32 : i32, i32, i32
  }
  func.func @transform_3(%arg0: i32, %arg1: i32) -> (i32, i32, i32) {
    %c0_i32 = arith.constant 0 : i32
    %c0_i32_0 = arith.constant 0 : i32
    return %arg0, %arg1, %c0_i32 : i32, i32, i32
  }
}

module attributes {stable_mosaic.version = 14 : i64} {
  func.func @_mlp_kernel(%arg0: i32, %arg1: i32, %arg2: memref<1x512x16xf32, #tpu.memory_space<vmem>>, %arg3: memref<1x5x512x64xf32, #tpu.memory_space<vmem>>, %arg4: memref<16x64xf32, #tpu.memory_space<vmem>>, %arg5: memref<1x64xf32, #tpu.memory_space<vmem>>, %arg6: memref<64x256xf32, #tpu.memory_space<vmem>>, %arg7: memref<256x256xf32, #tpu.memory_space<vmem>>, %arg8: memref<1x256xf32, #tpu.memory_space<vmem>>, %arg9: memref<1x512x64xf32, #tpu.memory_space<vmem>>) attributes {dimension_semantics = [#tpu.dimension_semantics<arbitrary>, #tpu.dimension_semantics<arbitrary>], iteration_bounds = array<i64: 2, 4>, scalar_prefetch = 0 : i64, scratch_operands = 0 : i64, tpu.core_type = #tpu.core_type<tc>, window_params = [{transform_indices = @transform_0, window_bounds = array<i64: 1, 512, 16>}, {transform_indices = @transform_1, window_bounds = array<i64: 1, 5, 512, 64>}, {pipeline_mode = #tpu.pipeline_mode<synchronous>, transform_indices = @transform_2, window_bounds = array<i64: 16, 64>}, {pipeline_mode = #tpu.pipeline_mode<synchronous>, transform_indices = @transform_3, window_bounds = array<i64: 1, 64>}, {pipeline_mode = #tpu.pipeline_mode<synchronous>, transform_indices = @transform_4, window_bounds = array<i64: 64, 256>}, {pipeline_mode = #tpu.pipeline_mode<synchronous>, transform_indices = @transform_5, window_bounds = array<i64: 256, 256>}, {pipeline_mode = #tpu.pipeline_mode<synchronous>, transform_indices = @transform_6, window_bounds = array<i64: 1, 256>}, {transform_indices = @transform_7, window_bounds = array<i64: 1, 512, 64>}]} {
    %get3A = arith.constant 0 : index
    %get3A_0 = arith.constant 0 : index
    %get3A_1 = arith.constant 0 : index
    %get3A_2 = vector.load %arg2[%get3A, %get3A_0, %get3A_1] : memref<1x512x16xf32, #tpu.memory_space<vmem>>, vector<1x512x16xf32>
    %get3A_3 = vector.shape_cast %get3A_2 : vector<1x512x16xf32> to vector<512x16xf32>
    %get3A_4 = arith.constant 0 : index
    %get3A_5 = arith.constant 0 : index
    %get3A_6 = vector.load %arg4[%get3A_4, %get3A_5] : memref<16x64xf32, #tpu.memory_space<vmem>>, vector<16x64xf32>
    %dot_general3A = arith.constant dense<0.000000e+00> : vector<512x64xf32>
    %dot_general3A_7 = tpu.matmul %get3A_3, %get3A_6, %dot_general3A {dimension_numbers = #tpu.dot_dimension_numbers<[1], [0], [0], [1], [0, 0, 1, 1], [], []>, precision = #tpu.contract_precision<fp32>, transpose_lhs_hint = false} : vector<512x16xf32>, vector<16x64xf32>, vector<512x64xf32> -> vector<512x64xf32>
    %get3A_8 = arith.constant 0 : index
    %get3A_9 = arith.constant 0 : index
    %get3A_10 = vector.load %arg5[%get3A_8, %get3A_9] : memref<1x64xf32, #tpu.memory_space<vmem>>, vector<1x64xf32>
    %add3A = vector.broadcast %get3A_10 : vector<1x64xf32> to vector<512x64xf32>
    %add3A_11 = arith.addf %dot_general3A_7, %add3A : vector<512x64xf32>
    %concatenate3A = tpu.concatenate %add3A_11, %add3A_11, %add3A_11, %add3A_11 in 1 : vector<512x64xf32>, vector<512x64xf32>, vector<512x64xf32>, vector<512x64xf32> -> vector<512x256xf32>
    %get3A_12 = arith.constant 0 : index
    %get3A_13 = arith.constant 0 : index
    %get3A_14 = vector.load %arg6[%get3A_12, %get3A_13] : memref<64x256xf32, #tpu.memory_space<vmem>>, vector<64x256xf32>
    %get3A_15 = arith.constant 0 : index
    %get3A_16 = arith.constant 0 : index
    %get3A_17 = vector.load %arg7[%get3A_15, %get3A_16] : memref<256x256xf32, #tpu.memory_space<vmem>>, vector<256x256xf32>
    %get3A_18 = arith.constant 0 : index
    %get3A_19 = arith.constant 0 : index
    %get3A_20 = vector.load %arg8[%get3A_18, %get3A_19] : memref<1x256xf32, #tpu.memory_space<vmem>>, vector<1x256xf32>
    %broadcast_in_dim3A = arith.constant 0.000000e+00 : f32
    %broadcast_in_dim3A_21 = vector.broadcast %broadcast_in_dim3A : f32 to vector<512x256xf32>
    %get3A_22 = arith.constant 0 : index
    %get3A_23 = arith.constant 0 : index
    %get3A_24 = arith.constant 0 : index
    %get3A_25 = arith.constant 0 : index
    %get3A_26 = vector.load %arg3[%get3A_22, %get3A_23, %get3A_24, %get3A_25] : memref<1x5x512x64xf32, #tpu.memory_space<vmem>>, vector<1x1x512x64xf32>
    %get3A_27 = vector.shape_cast %get3A_26 : vector<1x1x512x64xf32> to vector<512x64xf32>
    %dot_general3A_28 = arith.constant dense<0.000000e+00> : vector<512x256xf32>
    %dot_general3A_29 = tpu.matmul %get3A_27, %get3A_14, %dot_general3A_28 {dimension_numbers = #tpu.dot_dimension_numbers<[1], [0], [0], [1], [0, 0, 1, 1], [], []>, precision = #tpu.contract_precision<fp32>, transpose_lhs_hint = false} : vector<512x64xf32>, vector<64x256xf32>, vector<512x256xf32> -> vector<512x256xf32>
    %add3A_30 = arith.addf %concatenate3A, %dot_general3A_29 : vector<512x256xf32>
    %max3A = arith.constant 0.000000e+00 : f32
    %max3A_31 = vector.broadcast %max3A : f32 to vector<512x256xf32>
    %max3A_32 = arith.maximumf %add3A_30, %max3A_31 : vector<512x256xf32>
    %dot_general3A_33 = arith.constant dense<0.000000e+00> : vector<512x256xf32>
    %dot_general3A_34 = tpu.matmul %max3A_32, %get3A_17, %dot_general3A_33 {dimension_numbers = #tpu.dot_dimension_numbers<[1], [0], [0], [1], [0, 0, 1, 1], [], []>, transpose_lhs_hint = false} : vector<512x256xf32>, vector<256x256xf32>, vector<512x256xf32> -> vector<512x256xf32>
    %add3A_35 = vector.broadcast %get3A_20 : vector<1x256xf32> to vector<512x256xf32>
    %add3A_36 = arith.addf %dot_general3A_34, %add3A_35 : vector<512x256xf32>
    %max3A_37 = arith.constant 0.000000e+00 : f32
    %max3A_38 = vector.broadcast %max3A_37 : f32 to vector<512x256xf32>
    %max3A_39 = arith.maximumf %add3A_36, %max3A_38 : vector<512x256xf32>
    %add3A_40 = arith.addf %broadcast_in_dim3A_21, %max3A_39 : vector<512x256xf32>
    %get3A_41 = arith.constant 0 : index
    %get3A_42 = arith.constant 1 : index
    %get3A_43 = arith.constant 0 : index
    %get3A_44 = arith.constant 0 : index
    %get3A_45 = vector.load %arg3[%get3A_41, %get3A_42, %get3A_43, %get3A_44] : memref<1x5x512x64xf32, #tpu.memory_space<vmem>>, vector<1x1x512x64xf32>
    %get3A_46 = vector.shape_cast %get3A_45 : vector<1x1x512x64xf32> to vector<512x64xf32>
    %dot_general3A_47 = arith.constant dense<0.000000e+00> : vector<512x256xf32>
    %dot_general3A_48 = tpu.matmul %get3A_46, %get3A_14, %dot_general3A_47 {dimension_numbers = #tpu.dot_dimension_numbers<[1], [0], [0], [1], [0, 0, 1, 1], [], []>, precision = #tpu.contract_precision<fp32>, transpose_lhs_hint = false} : vector<512x64xf32>, vector<64x256xf32>, vector<512x256xf32> -> vector<512x256xf32>
    %add3A_49 = arith.addf %concatenate3A, %dot_general3A_48 : vector<512x256xf32>
    %max3A_50 = arith.constant 0.000000e+00 : f32
    %max3A_51 = vector.broadcast %max3A_50 : f32 to vector<512x256xf32>
    %max3A_52 = arith.maximumf %add3A_49, %max3A_51 : vector<512x256xf32>
    %dot_general3A_53 = arith.constant dense<0.000000e+00> : vector<512x256xf32>
    %dot_general3A_54 = tpu.matmul %max3A_52, %get3A_17, %dot_general3A_53 {dimension_numbers = #tpu.dot_dimension_numbers<[1], [0], [0], [1], [0, 0, 1, 1], [], []>, transpose_lhs_hint = false} : vector<512x256xf32>, vector<256x256xf32>, vector<512x256xf32> -> vector<512x256xf32>
    %add3A_55 = vector.broadcast %get3A_20 : vector<1x256xf32> to vector<512x256xf32>
    %add3A_56 = arith.addf %dot_general3A_54, %add3A_55 : vector<512x256xf32>
    %max3A_57 = arith.constant 0.000000e+00 : f32
    %max3A_58 = vector.broadcast %max3A_57 : f32 to vector<512x256xf32>
    %max3A_59 = arith.maximumf %add3A_56, %max3A_58 : vector<512x256xf32>
    %add3A_60 = arith.addf %add3A_40, %max3A_59 : vector<512x256xf32>
    %get3A_61 = arith.constant 0 : index
    %get3A_62 = arith.constant 2 : index
    %get3A_63 = arith.constant 0 : index
    %get3A_64 = arith.constant 0 : index
    %get3A_65 = vector.load %arg3[%get3A_61, %get3A_62, %get3A_63, %get3A_64] : memref<1x5x512x64xf32, #tpu.memory_space<vmem>>, vector<1x1x512x64xf32>
    %get3A_66 = vector.shape_cast %get3A_65 : vector<1x1x512x64xf32> to vector<512x64xf32>
    %dot_general3A_67 = arith.constant dense<0.000000e+00> : vector<512x256xf32>
    %dot_general3A_68 = tpu.matmul %get3A_66, %get3A_14, %dot_general3A_67 {dimension_numbers = #tpu.dot_dimension_numbers<[1], [0], [0], [1], [0, 0, 1, 1], [], []>, precision = #tpu.contract_precision<fp32>, transpose_lhs_hint = false} : vector<512x64xf32>, vector<64x256xf32>, vector<512x256xf32> -> vector<512x256xf32>
    %add3A_69 = arith.addf %concatenate3A, %dot_general3A_68 : vector<512x256xf32>
    %max3A_70 = arith.constant 0.000000e+00 : f32
    %max3A_71 = vector.broadcast %max3A_70 : f32 to vector<512x256xf32>
    %max3A_72 = arith.maximumf %add3A_69, %max3A_71 : vector<512x256xf32>
    %dot_general3A_73 = arith.constant dense<0.000000e+00> : vector<512x256xf32>
    %dot_general3A_74 = tpu.matmul %max3A_72, %get3A_17, %dot_general3A_73 {dimension_numbers = #tpu.dot_dimension_numbers<[1], [0], [0], [1], [0, 0, 1, 1], [], []>, transpose_lhs_hint = false} : vector<512x256xf32>, vector<256x256xf32>, vector<512x256xf32> -> vector<512x256xf32>
    %add3A_75 = vector.broadcast %get3A_20 : vector<1x256xf32> to vector<512x256xf32>
    %add3A_76 = arith.addf %dot_general3A_74, %add3A_75 : vector<512x256xf32>
    %max3A_77 = arith.constant 0.000000e+00 : f32
    %max3A_78 = vector.broadcast %max3A_77 : f32 to vector<512x256xf32>
    %max3A_79 = arith.maximumf %add3A_76, %max3A_78 : vector<512x256xf32>
    %add3A_80 = arith.addf %add3A_60, %max3A_79 : vector<512x256xf32>
    %get3A_81 = arith.constant 0 : index
    %get3A_82 = arith.constant 3 : index
    %get3A_83 = arith.constant 0 : index
    %get3A_84 = arith.constant 0 : index
    %get3A_85 = vector.load %arg3[%get3A_81, %get3A_82, %get3A_83, %get3A_84] : memref<1x5x512x64xf32, #tpu.memory_space<vmem>>, vector<1x1x512x64xf32>
    %get3A_86 = vector.shape_cast %get3A_85 : vector<1x1x512x64xf32> to vector<512x64xf32>
    %dot_general3A_87 = arith.constant dense<0.000000e+00> : vector<512x256xf32>
    %dot_general3A_88 = tpu.matmul %get3A_86, %get3A_14, %dot_general3A_87 {dimension_numbers = #tpu.dot_dimension_numbers<[1], [0], [0], [1], [0, 0, 1, 1], [], []>, precision = #tpu.contract_precision<fp32>, transpose_lhs_hint = false} : vector<512x64xf32>, vector<64x256xf32>, vector<512x256xf32> -> vector<512x256xf32>
    %add3A_89 = arith.addf %concatenate3A, %dot_general3A_88 : vector<512x256xf32>
    %max3A_90 = arith.constant 0.000000e+00 : f32
    %max3A_91 = vector.broadcast %max3A_90 : f32 to vector<512x256xf32>
    %max3A_92 = arith.maximumf %add3A_89, %max3A_91 : vector<512x256xf32>
    %dot_general3A_93 = arith.constant dense<0.000000e+00> : vector<512x256xf32>
    %dot_general3A_94 = tpu.matmul %max3A_92, %get3A_17, %dot_general3A_93 {dimension_numbers = #tpu.dot_dimension_numbers<[1], [0], [0], [1], [0, 0, 1, 1], [], []>, transpose_lhs_hint = false} : vector<512x256xf32>, vector<256x256xf32>, vector<512x256xf32> -> vector<512x256xf32>
    %add3A_95 = vector.broadcast %get3A_20 : vector<1x256xf32> to vector<512x256xf32>
    %add3A_96 = arith.addf %dot_general3A_94, %add3A_95 : vector<512x256xf32>
    %max3A_97 = arith.constant 0.000000e+00 : f32
    %max3A_98 = vector.broadcast %max3A_97 : f32 to vector<512x256xf32>
    %max3A_99 = arith.maximumf %add3A_96, %max3A_98 : vector<512x256xf32>
    %add3A_100 = arith.addf %add3A_80, %max3A_99 : vector<512x256xf32>
    %get3A_101 = arith.constant 0 : index
    %get3A_102 = arith.constant 4 : index
    %get3A_103 = arith.constant 0 : index
    %get3A_104 = arith.constant 0 : index
    %get3A_105 = vector.load %arg3[%get3A_101, %get3A_102, %get3A_103, %get3A_104] : memref<1x5x512x64xf32, #tpu.memory_space<vmem>>, vector<1x1x512x64xf32>
    %get3A_106 = vector.shape_cast %get3A_105 : vector<1x1x512x64xf32> to vector<512x64xf32>
    %dot_general3A_107 = arith.constant dense<0.000000e+00> : vector<512x256xf32>
    %dot_general3A_108 = tpu.matmul %get3A_106, %get3A_14, %dot_general3A_107 {dimension_numbers = #tpu.dot_dimension_numbers<[1], [0], [0], [1], [0, 0, 1, 1], [], []>, precision = #tpu.contract_precision<fp32>, transpose_lhs_hint = false} : vector<512x64xf32>, vector<64x256xf32>, vector<512x256xf32> -> vector<512x256xf32>
    %add3A_109 = arith.addf %concatenate3A, %dot_general3A_108 : vector<512x256xf32>
    %max3A_110 = arith.constant 0.000000e+00 : f32
    %max3A_111 = vector.broadcast %max3A_110 : f32 to vector<512x256xf32>
    %max3A_112 = arith.maximumf %add3A_109, %max3A_111 : vector<512x256xf32>
    %dot_general3A_113 = arith.constant dense<0.000000e+00> : vector<512x256xf32>
    %dot_general3A_114 = tpu.matmul %max3A_112, %get3A_17, %dot_general3A_113 {dimension_numbers = #tpu.dot_dimension_numbers<[1], [0], [0], [1], [0, 0, 1, 1], [], []>, transpose_lhs_hint = false} : vector<512x256xf32>, vector<256x256xf32>, vector<512x256xf32> -> vector<512x256xf32>
    %add3A_115 = vector.broadcast %get3A_20 : vector<1x256xf32> to vector<512x256xf32>
    %add3A_116 = arith.addf %dot_general3A_114, %add3A_115 : vector<512x256xf32>
    %max3A_117 = arith.constant 0.000000e+00 : f32
    %max3A_118 = vector.broadcast %max3A_117 : f32 to vector<512x256xf32>
    %max3A_119 = arith.maximumf %add3A_116, %max3A_118 : vector<512x256xf32>
    %add3A_120 = arith.addf %add3A_100, %max3A_119 : vector<512x256xf32>
    %slice3A = vector.extract_strided_slice %add3A_120 {offsets = [0, 0], sizes = [512, 64], strides = [1, 1]} : vector<512x256xf32> to vector<512x64xf32>
    %slice3A_121 = vector.extract_strided_slice %add3A_120 {offsets = [0, 64], sizes = [512, 64], strides = [1, 1]} : vector<512x256xf32> to vector<512x64xf32>
    %add3A_122 = arith.addf %slice3A, %slice3A_121 : vector<512x64xf32>
    %slice3A_123 = vector.extract_strided_slice %add3A_120 {offsets = [0, 128], sizes = [512, 64], strides = [1, 1]} : vector<512x256xf32> to vector<512x64xf32>
    %add3A_124 = arith.addf %add3A_122, %slice3A_123 : vector<512x64xf32>
    %slice3A_125 = vector.extract_strided_slice %add3A_120 {offsets = [0, 192], sizes = [512, 64], strides = [1, 1]} : vector<512x256xf32> to vector<512x64xf32>
    %add3A_126 = arith.addf %add3A_124, %slice3A_125 : vector<512x64xf32>
    %mul3A = arith.constant 5.000000e-02 : f32
    %mul3A_127 = vector.broadcast %mul3A : f32 to vector<512x64xf32>
    %mul3A_128 = arith.mulf %add3A_126, %mul3A_127 : vector<512x64xf32>
    %swap3A = arith.constant 0 : index
    %swap3A_129 = arith.constant 0 : index
    %swap3A_130 = arith.constant 0 : index
    %swap3A_131 = vector.load %arg9[%swap3A, %swap3A_129, %swap3A_130] : memref<1x512x64xf32, #tpu.memory_space<vmem>>, vector<1x512x64xf32>
    %swap3A_132 = vector.shape_cast %swap3A_131 : vector<1x512x64xf32> to vector<512x64xf32>
    %swap3A_133 = vector.shape_cast %mul3A_128 : vector<512x64xf32> to vector<1x512x64xf32>
    tpu.vector_store %arg9[%swap3A, %swap3A_129, %swap3A_130], %swap3A_133 {strides = array<i32>} : memref<1x512x64xf32, #tpu.memory_space<vmem>>, vector<1x512x64xf32>,
    return
  }
  func.func @transform_0(%arg0: i32, %arg1: i32) -> (i32, i32, i32) {
    %c0_i32 = arith.constant 0 : i32
    %c0_i32_0 = arith.constant 0 : i32
    return %arg0, %arg1, %c0_i32 : i32, i32, i32
  }
  func.func @transform_1(%arg0: i32, %arg1: i32) -> (i32, i32, i32, i32) {
    %c0_i32 = arith.constant 0 : i32
    %c0_i32_0 = arith.constant 0 : i32
    %c0_i32_1 = arith.constant 0 : i32
    return %arg0, %c0_i32, %arg1, %c0_i32_0 : i32, i32, i32, i32
  }
  func.func @transform_2(%arg0: i32, %arg1: i32) -> (i32, i32) {
    %c0_i32 = arith.constant 0 : i32
    %c0_i32_0 = arith.constant 0 : i32
    %c0_i32_1 = arith.constant 0 : i32
    return %c0_i32, %c0_i32_0 : i32, i32
  }
  func.func @transform_3(%arg0: i32, %arg1: i32) -> (i32, i32) {
    %c0_i32 = arith.constant 0 : i32
    %c0_i32_0 = arith.constant 0 : i32
    %c0_i32_1 = arith.constant 0 : i32
    return %c0_i32, %c0_i32_0 : i32, i32
  }
  func.func @transform_4(%arg0: i32, %arg1: i32) -> (i32, i32) {
    %c0_i32 = arith.constant 0 : i32
    %c0_i32_0 = arith.constant 0 : i32
    %c0_i32_1 = arith.constant 0 : i32
    return %c0_i32, %c0_i32_0 : i32, i32
  }
  func.func @transform_5(%arg0: i32, %arg1: i32) -> (i32, i32) {
    %c0_i32 = arith.constant 0 : i32
    %c0_i32_0 = arith.constant 0 : i32
    %c0_i32_1 = arith.constant 0 : i32
    return %c0_i32, %c0_i32_0 : i32, i32
  }
  func.func @transform_6(%arg0: i32, %arg1: i32) -> (i32, i32) {
    %c0_i32 = arith.constant 0 : i32
    %c0_i32_0 = arith.constant 0 : i32
    %c0_i32_1 = arith.constant 0 : i32
    return %c0_i32, %c0_i32_0 : i32, i32
  }
  func.func @transform_7(%arg0: i32, %arg1: i32) -> (i32, i32, i32) {
    %c0_i32 = arith.constant 0 : i32
    %c0_i32_0 = arith.constant 0 : i32
    return %arg0, %arg1, %c0_i32 : i32, i32, i32
  }
}

</mosaic_0001>

<sc_bundles>
// kernel: kernel.11.cloned.1.call-start
scs
__scs_entry_jumppad:
0x0: {  	(pc) =	sbr.rel $0x88, $3  }
0x1: {  	(tag) =	ssettag $0x0;
	lr =	simm.s32 $0x1  }
0x2: {  	[smem:$0x3F93] =	sst lr;
	_ =	strace $0xD0000000  }
0x3: {  	_ = 	snop  }
0x4: {  	_ = 	snop  }
0x5: {  	_ = 	snop  }
0x6: {  	_ = 	snop  }
0x7: {  	_ = 	snop  }
__scs_overlays_trampoline_lowered:
0x8: {  	[smem:$0x3FA2] =	sst s0  }
0x9: {  	[smem:$0x3FA3] =	sst s1  }
0xa: {  	[smem:$0x3FA4] =	sst s2  }
0xb: {  	[smem:$0x3FA5] =	sst s3  }
0xc: {  	[smem:$0x3FA6] =	sst s4  }
0xd: {  	[smem:$0x3FA7] =	sst s5  }
0xe: {  	[smem:$0x3FA8] =	sst s6  }
0xf: {  	[smem:$0x3FA9] =	sst s7  }
0x10: {  	[smem:$0x3FAA] =	sst s8  }
0x11: {  	[smem:$0x3FAB] =	sst s9;
	s0 =	simm.s32 @!p0 $0x0  }
0x12: {  	s1 =	sld [smem:$0x3F91];
	s0 =	simm.s32 @p0 $0x1  }
0x13: {  	[smem:$0x3FAC] =	sst s0;
	s0 =	simm.s32 @!p1 $0x0  }
0x14: {  	s2 =	sld [smem:$0x3F90];
	s0 =	simm.s32 @p1 $0x1  }
0x15: {  	[smem:$0x3FAD] =	sst s0;
	s0 =	simm.s32 @!p2 $0x0  }
0x16: {  	s3 =	sld [smem:$0x3FDB];
	s0 =	simm.s32 @p2 $0x1  }
0x17: {  	s4 =	simm.s32 $0x1BF5;
	[smem:$0x3FAF] =	sst s0  }
0x18: {  	s0 =	sld [smem:$0x3F92];
	_ =	swait.ge [sflag:s4], $0x0  }
0x19: {  	s7 =	sld [smem:$0x3F93]  }
0x1a: {  	s8 =	sadd.s32 $0xFFFFE003, lr  }
0x1b: {  	s9 =	sadd.s32 $0xFFFFFEF7, lr;
	s5 =	simm.s32 $0xFFFFFFFF;
	p2 =	slt.u32 s8, $0xFFFFF086  }
0x1c: {  	p1 =	slt.u32 s9, $0xF7A;
	s5 =	simm.s32 @!p2 $0x0  }
0x1d: {  	s5 =	simm.s32 @p1 $0x1;
	p0 =	seq.s32 s7, s2  }
0x1e: {  	s7 =	smul.u32 @!p0 $0xF7A, s2;
	p2 =	seq.s32 @!p0 s5, $0x0  }
0x1f: {  	s9 =	smul.u32 $0xF7A, s1;
	s8 =	simm.s32 @!p0 $0x1BF5;
	p2 =	por !p2, p0  }
0x20: {  	[sflag:s8] =	ssyncset.s32 @!p0 $0xFFFFF086;
	s6 =	sadd.s32 @!p0 s3, s7;
	s7 =	simm.s32 @!p0 $0x108  }
0x21: {  	s3 =	sadd.s32 s3, s9;
	s6 =	sadd.s32 @!p0 $0x88, s6;
	s7 =	simm.s32 @p2 $0x1082  }
0x22: {  	[simem:s7], [sflag:s8] =	dma.local @!p0 [hbm:s6], $0xF7A  }
0x23: {  	s9 =	sor.u32 $0xD0000000, s2;
	s6 =	simm.s32 $0x108;
	_ =	swait.ge @!p0 [sflag:s8], $0x0  }
0x24: {  	s3 =	sadd.s32 $0x88, s3;
	s6 =	simm.s32 @!p1 $0x1082;
	[sflag:s4] =	ssyncset.s32 $0xFFFFF086  }
0x25: {  	[simem:s6], [sflag:s4] =	dma.local [hbm:s3], $0xF7A  }
0x26: {  	[smem:$0x3F93] =	sst s1;
	(tag) =	ssettag s2;
	_ =	strace s9  }
0x27: {  	s1 =	sld [smem:$0x3FA3]  }
0x28: {  	s2 =	sld [smem:$0x3FA4]  }
0x29: {  	s4 =	sld [smem:$0x3FA6]  }
0x2a: {  	p0 =	seq.s32 s5, $0x0;
	s5 =	sld [smem:$0x3FA7]  }
0x2b: {  	s6 =	sld [smem:$0x3FA8]  }
0x2c: {  	s7 =	sld [smem:$0x3FA9]  }
0x2d: {  	s3 =	simm.s32 $0x108;
	s8 =	sld [smem:$0x3FAA]  }
0x2e: {  	s3 =	simm.s32 @!p0 $0x1082;
	s9 =	sld [smem:$0x3FAB]  }
0x2f: {  	lr =	sadd.s32 s0, s3;
	s0 =	sld [smem:$0x3FA2]  }
0x30: {  	s3 =	sld [smem:$0x3FA5]  }
0x31: {  	[smem:$0x3FAE] =	sst s10  }
0x32: {  	s10 =	sld [smem:$0x3FAC];
	_ =	sdelay $0x3  }
0x33: {  	p0 =	seq.s32 s10, $0x1;
	s10 =	sld [smem:$0x3FAE];
	_ =	sdelay $0x3  }
0x34: {  	[smem:$0x3FAE] =	sst s10  }
0x35: {  	s10 =	sld [smem:$0x3FAD];
	_ =	sdelay $0x3  }
0x36: {  	p1 =	seq.s32 s10, $0x1;
	s10 =	sld [smem:$0x3FAE];
	_ =	sdelay $0x3  }
0x37: {  	[smem:$0x3FAE] =	sst s10  }
0x38: {  	s10 =	sld [smem:$0x3FAF]  }
0x39: {  	_ = 	snop;
	(pc) =	sbr.ind lr, $3  }
0x3a: {  	_ = 	snop  }
0x3b: {  	_ = 	snop  }
0x3c: {  	p2 =	seq.s32 s10, $0x1;
	s10 =	sld [smem:$0x3FAE]  }
0x3d: {  	_ =	shalt  }
0x3e: {  	_ =	shalt  }
0x3f: {  	_ =	shalt  }
0x40: {  	_ =	shalt  }
0x41: {  	_ =	shalt  }
0x42: {  	_ =	shalt  }
0x43: {  	_ =	shalt  }
0x44: {  	_ =	shalt  }
0x45: {  	_ =	shalt  }
0x46: {  	_ =	shalt  }
0x47: {  	_ =	shalt  }
0x48: {  	_ =	shalt  }
0x49: {  	_ =	shalt  }
0x4a: {  	_ =	shalt  }
0x4b: {  	_ =	shalt  }
0x4c: {  	_ =	shalt  }
0x4d: {  	_ =	shalt  }
0x4e: {  	_ =	shalt  }
0x4f: {  	_ =	shalt  }
0x50: {  	_ =	shalt  }
0x51: {  	_ =	shalt  }
0x52: {  	_ =	shalt  }
0x53: {  	_ =	shalt  }
0x54: {  	_ =	shalt  }
0x55: {  	_ =	shalt  }
0x56: {  	_ =	shalt  }
0x57: {  	_ =	shalt  }
0x58: {  	_ =	shalt  }
0x59: {  	_ =	shalt  }
0x5a: {  	_ =	shalt  }
0x5b: {  	_ =	shalt  }
0x5c: {  	_ =	shalt  }
0x5d: {  	_ =	shalt  }
0x5e: {  	_ =	shalt  }
0x5f: {  	_ =	shalt  }
0x60: {  	_ =	shalt  }
0x61: {  	_ =	shalt  }
0x62: {  	_ =	shalt  }
0x63: {  	_ =	shalt  }
0x64: {  	_ =	shalt  }
0x65: {  	_ =	shalt  }
0x66: {  	_ =	shalt  }
0x67: {  	_ =	shalt  }
0x68: {  	_ =	shalt  }
0x69: {  	_ =	shalt  }
0x6a: {  	_ =	shalt  }
0x6b: {  	_ =	shalt  }
0x6c: {  	_ =	shalt  }
0x6d: {  	_ =	shalt  }
0x6e: {  	_ =	shalt  }
0x6f: {  	_ =	shalt  }
0x70: {  	_ =	shalt  }
0x71: {  	_ =	shalt  }
0x72: {  	_ =	shalt  }
0x73: {  	_ =	shalt  }
0x74: {  	_ =	shalt  }
0x75: {  	_ =	shalt  }
0x76: {  	_ =	shalt  }
0x77: {  	_ =	shalt  }
0x78: {  	_ =	shalt  }
0x79: {  	_ =	shalt  }
0x7a: {  	_ =	shalt  }
0x7b: {  	_ =	shalt  }
0x7c: {  	_ =	shalt  }
0x7d: {  	_ =	shalt  }
0x7e: {  	_ =	shalt  }
0x7f: {  	_ =	shalt  }
0x80: {  	_ =	shalt  }
0x81: {  	_ =	shalt  }
0x82: {  	_ =	shalt  }
0x83: {  	_ =	shalt  }
0x84: {  	_ =	shalt  }
0x85: {  	_ =	shalt  }
0x86: {  	_ =	shalt  }
0x87: {  	_ =	shalt  }
.Lfunc_end0:
.L_simem_size_0:
called_computation.1_lowered:
.L_overlay_start_0:
0x88: {  	s2 =	sld [smem:$0x3FD9]  }
0x89: {  	s3 =	sld [smem:$0x3FFE];
	_ =	sdelay $0x1  }
0x8a: {  	s1 =	srdreg.scid  }
0x8b: {  	s0 =	sand.u32 $0x1, s1  }
0x8c: {  	s17 =	sshll.u32 s0, $0xA;
	s2 =	sadd.s32 s3, s2  }
0x8d: {  	s2 =	sadd.s32 s2, s17  }
0x8e: {  	[smem:$0x3FBA] =	sst s2  }
0x8f: {  	_ = 	snop  }
0x90: {  	s18 =	sld [smem:$0x3FD0];
	(tm) =	ssettm $0x1  }
0x91: {  	s19 =	sld [smem:$0x3FFB];
	_ =	sdelay $0x3  }
0x92: {  	_ =	strace s19  }
0x93: {  	s2 =	sld [smem:$0x3FFC];
	_ =	sdelay $0x3  }
0x94: {  	_ =	strace s2  }
0x95: {  	s2 =	sld [smem:$0x3FFD];
	_ =	sdelay $0x3  }
0x96: {  	_ =	strace s2  }
0x97: {  	_ =	strace $0x8FFFFFFF  }
0x98: {  	s20 =	sld [smem:$0x3FDB];
	_ =	sdelay $0x1  }
0x99: {  	s4 =	simm.s32 $_scs_section_size  }
0x9a: {  	s5 =	simm.s32 $_size__tile_overlayer_lowered;
	s6 =	simm.s32 $_tile_overlayer_lowered  }
0x9b: {  	s7 =	simm.s32 $0x1BFF;
	s21 =	sshll.u32 s6, $0x1;
	s4 =	sadd.s32 s4, s20  }
0x9c: {  	s22 =	simm.s32 $0x0;
	s5 =	sshll.u32 s5, $0x1;
	s6 =	sadd.s32 s21, s4  }
0x9d: {  	[timem:s22], [sflag:s7] =	dma.local [hbm:s6], s5  }
0x9e: {  	_ =	swait.ge [sflag:s7], s5  }
0x9f: {  	s5 =	ssub.s32 $0x0, s5;
	[sflag:s7] =	ssyncset.done $0x0  }
0xa0: {  	[sflag:s7] =	ssyncadd.s32 s5;
	_ =	sdelay $0x1  }
0xa1: {  	s23 =	simm.s32 $0x1B8B  }
0xa2: {  	_ =	swait.ge [sflag:s23], $0x1  }
0xa3: {  	[sflag:s23] =	ssyncset.done $0x0  }
0xa4: {  	[sflag:s23] =	ssyncadd.s32 $0xFFFFFFFF  }
0xa5: {  	s5 =	sld [smem:$0x0]  }
0xa6: {  	s6 =	sand.u32 $0xFFFFFFFE, s1  }
0xa7: {  	p0 =	sne.s32 s1, s6  }
0xa8: {  	s6 =	sshll.u32 @p0 s6, $0xE  }
0xa9: {  	s6 =	sadd.s32 @p0 $0x11B8D, s6;
	s7 =	sshll.u32 @p0 s5, $0x11  }
0xaa: {  	s6 =	sor.u32 @p0 s7, s6  }
0xab: {  	[sflag:s6] =	ssyncadd.remote.s32 @p0 $0x1;
	_ =	sdelay $0x1  }
0xac: {  	s6 =	simm.s32 @p0 $0x1B8D  }
0xad: {  	_ =	swait.eq @p0 [sflag:s6], $0x1  }
0xae: {  	[sflag:s6] =	ssyncadd.s32 @p0 $0xFFFFFFFF  }
0xaf: {  	s7 =	sshll.u32 @!p0 s1, $0xE  }
0xb0: {  	s7 =	sor.u32 @!p0 $0x4000, s7;
	s6 =	simm.s32 @!p0 $0x1B8D  }
0xb1: {  	s5 =	sshll.u32 @!p0 s5, $0x11;
	s7 =	sadd.s32 @!p0 $0x11B8D, s7;
	_ =	swait.eq @!p0 [sflag:s6], $0x1  }
0xb2: {  	s5 =	sor.u32 @!p0 s5, s7;
	[sflag:s6] =	ssyncadd.s32 @!p0 $0xFFFFFFFF  }
0xb3: {  	s25 =	simm.s32 $0x1B8E;
	s24 =	sld [smem:$0x3FFE];
	[sflag:s5] =	ssyncadd.remote.s32 @!p0 $0x1  }
0xb4: {  	s26 =	simm.s32 $execute0_lowered;
	[smem:$0x3FD2] =	sst s25  }
0xb5: {  	s6 =	sshll.u32 s26, $0x1;
	_ =	strace $0x80000049;
	[dreg:$0x1] =	wrdreg $0xFFFFFFFF  }
0xb6: {  	s28 =	simm.s32 $_size_execute0_lowered;
	s4 =	sadd.s32 s4, s6;
	[dreg:$0x0] =	wrdreg $0x0  }
0xb7: {  	s6 =	sshll.u32 s28, $0x1;
	[dreg:$0x2] =	wrdreg s4  }
0xb8: {  	[dreg:$0x3] =	wrdreg s6  }
0xb9: {  	[dreg:$0x4] =	wrdreg $0xC0  }
0xba: {  	_ =	task [dreg:s22], $0x5FFFF  }
0xbb: {  	[dreg:$0x1] =	wrdreg $0xFFFFFFFF  }
0xbc: {  	[dreg:$0x0] =	wrdreg $0x60  }
0xbd: {  	[dreg:$0x2] =	wrdreg s24  }
0xbe: {  	[dreg:$0x3] =	wrdreg s18  }
0xbf: {  	[dreg:$0x4] =	wrdreg $0xA  }
0xc0: {  	_ =	task.clear_ibuf [dreg:s22], $0x5FFFF;
	_ =	strace $0x90000049  }
0xc1: {  	s29 =	simm.s32 $0xA;
	_ =	strace $0x8000004B  }
0xc2: {  	_ =	swait.ge [sflag:s29], $0x1  }
0xc3: {  	[sflag:s29] =	ssyncadd.s32 $0xFFFFFFFF  }
0xc4: {  	_ =	strace $0x9000004B  }
0xc5: {  	_ =	sfence  }
0xc6: {  	s30 =	sld [smem:$0x0];
	_ =	sdelay $0x2  }
0xc7: {  	s31 =	sshll.u32 s1, $0xD;
	s1 =	sshrl.u32 s1, $0x2  }
0xc8: {  	s4 =	sand.u32 $0x4000, s31;
	s1 =	sadd.s32 s1, s30  }
0xc9: {  	s0 =	sor.u32 s4, s0;
	s1 =	sshll.u32 s1, $0x11  }
0xca: {  	s0 =	sor.u32 s1, s0  }
0xcb: {  	s0 =	sadd.s32 $0x8F2B, s0  }
0xcc: {  	[sflag:s0] =	ssyncadd.remote.s32 $0x1  }
0xcd: {  	_ =	sfence.sel $0xFFFF  }
0xce: {  	[dreg:$0x0] =	wrdreg $0xFFFFFFFF;
	(pc) =	sbr.abs _section_cstart, $3  }
0xcf: {  	[dreg:$0x1] =	wrdreg $0xFFFFFFFF  }
0xd0: {  	_ =	task.clear_ibuf [dreg:s22], $0x2FFFF;
	_ =	strace $0x9FFFFFFF  }
0xd1: {  	(tm) =	ssettm $0x7FFFFFFF  }
tec
execute0_lowered:
.L_overlay_start_1:
0x0: {  	(tag) =	ssettag $0x1  }
0x1: {  	s3 =	rddreg [dreg:$0x0]  }
0x2: {  	s4 =	rddreg [dreg:$0x1]  }
0x3: {  	s0 =	rddreg [dreg:$0x2];
	s1 =	stileid.u32  }
0x4: {  	s2 =	simm.s32 $0x0;
	s5 =	srdreg.scid;
	s11 =	simm.s32 $0x20000  }
0x5: {  	s12 =	simm.s32 $0x0;
	s6 =	sshll.u32 s1, $0x1;
	s7 =	sshrl.u32 s1, $0x3  }
0x6: {  	v0 =	vlaneseq.u32;
	s5 =	sand.u32 $0x1, s5;
	[smem:$0x7FF] =	sst s2;
	s8 =	smul.u32 $0xA0000, s7  }
0x7: {  	v1 =	vand.u32 $0x3, v0;
	s6 =	sand.u32 $0xE, s6;
	_ =	strace $0x8000004A;
	s10 =	smul.u32 $0xA000, s7  }
0x8: {  	s7 =	sshll.u32 s7, $0xC;
	v1 =	vmul.u32 $0x10, v1;
	s6 =	sor.u32 s5, s6;
	s5 =	ssub.s32 $0x2, s5  }
0x9: {  	v3 =	vimm.s32 $0x0;
	v2 =	vor.u32 $0xFFFFFFF8, v0;
	s9 =	sshll.u32 s6, $0xD;
	s6 =	smul.u32 $0xA00, s6;
	s29 =	sshrl.u32 s5, $0x1  }
0xa: {  	s7 =	sadd.s32 s7, s3;
	v4 =	vor.u32 $0x1, v1;
	v5 =	vor.u32 $0x2, v1;
	v6 =	vor.u32 $0x3, v1;
	s8 =	sor.u32 s8, s9;
	s30 =	ssub.s32 s5, s29  }
0xb: {  	v7 =	vor.u32 $0x4, v1;
	v8 =	vor.u32 $0x5, v1;
	v9 =	vor.u32 $0x6, v1;
	s9 =	simm.s32 $0x8A00;
	s8 =	sshrl.u32 s8, $0x3;
	s6 =	sadd.s32 s10, s6  }
0xc: {  	v10 =	vor.u32 $0x7, v1;
	v11 =	vor.u32 $0x8, v1;
	v12 =	vor.u32 $0x9, v1;
	s10 =	simm.s32 $0x2000;
	s8 =	sadd.s32 s8, s3;
	s3 =	sadd.s32 $0x2EA00, s7  }
0xd: {  	v13 =	vor.u32 $0xA, v1;
	v14 =	vor.u32 $0xB, v1;
	v15 =	vor.u32 $0xC, v1;
	s31 =	sshrl.u32 s6, $0x3;
	s6 =	smax.u32 s30, $0x1;
	s7 =	simm.s32 $0x1  }
0xe: {  	v16 =	vor.u32 $0xD, v1;
	v17 =	vor.u32 $0xE, v1;
	v18 =	vor.u32 $0xF, v1;
	s4 =	sadd.s32 s4, s31;
	s5 =	sadd.s32 $0x30A00, s8;
	s8 =	simm.s32 $0x8000  }
.LBB2_1:
0xf: {  	[tilespmem:s2], [sflag:$0x1] =	stream.linear.gather [hbm4b:s3+s2], $0x8000, $0x38;
	[tilespmem:$0x12A00] =	vst v63  }
0x10: {  	_ =	swait.ge [sflag:s7], $0x8000  }
0x11: {  	v19 =	vor.u32 s2, v0;
	[sflag:s7] =	ssyncset.done $0x0  }
0x12: {  	v20 =	vand.u32 v2, v19;
	v21 =	vmulhi.u32 $0xCCCCCCCD, v19;
	[sflag:s7] =	ssyncadd.s32 $0xFFFF8000  }
0x13: {  	[tilespmem:s8], [sflag:$0x1] =	stream.linear.gather [hbm4b:s4+s2], $0xA00, $0x38;
	[tilespmem:$0x12A00] =	vst v63  }
0x14: {  	v21 =	vshrl.u32 v21, $0x4;
	_ =	swait.ge [sflag:s7], $0xA00  }
0x15: {  	v22 =	vmul.u32 $0xFFFFFFEC, v21;
	[sflag:s7] =	ssyncset.done $0x0  }
0x16: {  	v24 =	vmov s2;
	v23 =	vsub.s32 $0x0, v19;
	[sflag:s7] =	ssyncadd.s32 $0xFFFFF600  }
0x17: {  	vm0 =	veq.s32 v24, v0;
	vm1 =	vne.s32 v22, v23;
	v20 =	vld.idx.msk [tilespmem:v20+s8+$0x0], $0xffff  }
0x18: {  	vm0 =	vmand vm0, vm1  }
0x19: {  	v22 =	vsel vm0, $0xFFFFFFFF, v3  }
0x1a: {  	v21 =	vadd.s32 v22, v21  }
0x1b: {  	v22 =	vmul.u32 $0x1FFFEC, v21  }
0x1c: {  	v20 =	vshll.u32 v20, $0x4  }
0x1d: {  	v19 =	vadd.s32 v19, v22  }
0x1e: {  	v19 =	vshll.u32 v19, $0xB  }
0x1f: {  	v21 =	vshll.u32 v21, $0x6;
	v19 =	vand.u32 $0xFFFFE000, v19  }
0x20: {  	v19 =	vadd.s32 v21, v19  }
0x21: {  	v22 =	vor.u32 v1, v19;
	v21 =	vld.idx.msk [tilespmem:v20+s2+$0x0], $0xffff  }
0x22: {  	v23 =	vor.u32 $0x1, v20;
	_ =	sdelay $0x3  }
0x23: {  	[tilespmem:v22+s9+$0x0] =	vst.idx.msk $0xffff, v21  }
0x24: {  	v22 =	vor.u32 v4, v19;
	v21 =	vld.idx.msk [tilespmem:v23+s2+$0x0], $0xffff  }
0x25: {  	v23 =	vor.u32 $0x2, v20;
	_ =	sdelay $0x3  }
0x26: {  	[tilespmem:v22+s9+$0x0] =	vst.idx.msk $0xffff, v21  }
0x27: {  	v22 =	vor.u32 v5, v19;
	v21 =	vld.idx.msk [tilespmem:v23+s2+$0x0], $0xffff  }
0x28: {  	v23 =	vor.u32 $0x3, v20;
	_ =	sdelay $0x3  }
0x29: {  	[tilespmem:v22+s9+$0x0] =	vst.idx.msk $0xffff, v21  }
0x2a: {  	v22 =	vor.u32 v6, v19;
	v21 =	vld.idx.msk [tilespmem:v23+s2+$0x0], $0xffff  }
0x2b: {  	v23 =	vor.u32 $0x4, v20;
	_ =	sdelay $0x3  }
0x2c: {  	[tilespmem:v22+s9+$0x0] =	vst.idx.msk $0xffff, v21  }
0x2d: {  	v22 =	vor.u32 v7, v19;
	v21 =	vld.idx.msk [tilespmem:v23+s2+$0x0], $0xffff  }
0x2e: {  	v23 =	vor.u32 $0x5, v20;
	_ =	sdelay $0x3  }
0x2f: {  	[tilespmem:v22+s9+$0x0] =	vst.idx.msk $0xffff, v21  }
0x30: {  	v22 =	vor.u32 v8, v19;
	v21 =	vld.idx.msk [tilespmem:v23+s2+$0x0], $0xffff  }
0x31: {  	v23 =	vor.u32 $0x6, v20;
	_ =	sdelay $0x3  }
0x32: {  	[tilespmem:v22+s9+$0x0] =	vst.idx.msk $0xffff, v21  }
0x33: {  	v22 =	vor.u32 v9, v19;
	v21 =	vld.idx.msk [tilespmem:v23+s2+$0x0], $0xffff  }
0x34: {  	v23 =	vor.u32 $0x7, v20;
	_ =	sdelay $0x3  }
0x35: {  	[tilespmem:v22+s9+$0x0] =	vst.idx.msk $0xffff, v21  }
0x36: {  	v22 =	vor.u32 v10, v19;
	v21 =	vld.idx.msk [tilespmem:v23+s2+$0x0], $0xffff  }
0x37: {  	v23 =	vor.u32 $0x8, v20;
	_ =	sdelay $0x3  }
0x38: {  	[tilespmem:v22+s9+$0x0] =	vst.idx.msk $0xffff, v21  }
0x39: {  	v22 =	vor.u32 v11, v19;
	v21 =	vld.idx.msk [tilespmem:v23+s2+$0x0], $0xffff  }
0x3a: {  	v23 =	vor.u32 $0x9, v20;
	_ =	sdelay $0x3  }
0x3b: {  	[tilespmem:v22+s9+$0x0] =	vst.idx.msk $0xffff, v21  }
0x3c: {  	v22 =	vor.u32 v12, v19;
	v21 =	vld.idx.msk [tilespmem:v23+s2+$0x0], $0xffff  }
0x3d: {  	v23 =	vor.u32 $0xA, v20;
	_ =	sdelay $0x3  }
0x3e: {  	[tilespmem:v22+s9+$0x0] =	vst.idx.msk $0xffff, v21  }
0x3f: {  	v22 =	vor.u32 v13, v19;
	v21 =	vld.idx.msk [tilespmem:v23+s2+$0x0], $0xffff  }
0x40: {  	v23 =	vor.u32 $0xB, v20;
	_ =	sdelay $0x3  }
0x41: {  	[tilespmem:v22+s9+$0x0] =	vst.idx.msk $0xffff, v21  }
0x42: {  	v22 =	vor.u32 v14, v19;
	v21 =	vld.idx.msk [tilespmem:v23+s2+$0x0], $0xffff  }
0x43: {  	v23 =	vor.u32 $0xC, v20;
	_ =	sdelay $0x3  }
0x44: {  	[tilespmem:v22+s9+$0x0] =	vst.idx.msk $0xffff, v21  }
0x45: {  	v22 =	vor.u32 v15, v19;
	v21 =	vld.idx.msk [tilespmem:v23+s2+$0x0], $0xffff  }
0x46: {  	v23 =	vor.u32 $0xD, v20;
	_ =	sdelay $0x3  }
0x47: {  	[tilespmem:v22+s9+$0x0] =	vst.idx.msk $0xffff, v21  }
0x48: {  	v22 =	vor.u32 v16, v19;
	v21 =	vld.idx.msk [tilespmem:v23+s2+$0x0], $0xffff  }
0x49: {  	v23 =	vor.u32 $0xE, v20;
	_ =	sdelay $0x3  }
0x4a: {  	[tilespmem:v22+s9+$0x0] =	vst.idx.msk $0xffff, v21  }
0x4b: {  	v22 =	vor.u32 v17, v19;
	v21 =	vld.idx.msk [tilespmem:v23+s2+$0x0], $0xffff  }
0x4c: {  	v23 =	vor.u32 $0xF, v20;
	_ =	sdelay $0x1  }
0x4d: {  	s13 =	simm.s32 $0x10  }
0x4e: {  	v20 =	vor.u32 s13, v0  }
0x4f: {  	v24 =	vmulhi.u32 $0xCCCCCCCD, v20;
	[tilespmem:v22+s9+$0x0] =	vst.idx.msk $0xffff, v21  }
0x50: {  	v22 =	vor.u32 v18, v19;
	v21 =	vld.idx.msk [tilespmem:v23+s2+$0x0], $0xffff  }
0x51: {  	v19 =	vshrl.u32 v24, $0x4;
	v24 =	vand.u32 v2, v20;
	_ =	sdelay $0x2  }
0x52: {  	s14 =	simm.s32 $0x20;
	v23 =	vsub.s32 $0x0, v20;
	v25 =	vmul.u32 $0xFFFFFFEC, v19  }
.LBB2_2:
0x53: {  	p0 =	sne.s32 s14, $0x9F0;
	v26 =	vmov s13;
	[tilespmem:v22+s9+$0x0] =	vst.idx.msk $0xffff, v21;
	s13 =	smov.u32 s14;
	s14 =	sadd.s32 $0x10, s14  }
0x54: {  	v21 =	vld.idx.msk [tilespmem:v24+s8+$0x0], $0xffff;
	vm0 =	veq.s32 v26, v0;
	vm1 =	vne.s32 v25, v23  }
0x55: {  	vm0 =	vmand vm0, vm1  }
0x56: {  	v22 =	vsel vm0, $0xFFFFFFFF, v3  }
0x57: {  	v19 =	vadd.s32 v22, v19  }
0x58: {  	v22 =	vmul.u32 $0x1FFFEC, v19;
	_ =	sdelay $0x1  }
0x59: {  	v22 =	vadd.s32 v20, v22;
	v20 =	vshll.u32 v21, $0x4  }
0x5a: {  	v21 =	vshll.u32 v22, $0xB  }
0x5b: {  	v19 =	vshll.u32 v19, $0x6;
	v21 =	vand.u32 $0xFFFFE000, v21  }
0x5c: {  	v19 =	vadd.s32 v19, v21;
	_ =	sdelay $0x1  }
0x5d: {  	v21 =	vld.idx.msk [tilespmem:v20+s2+$0x0], $0xffff  }
0x5e: {  	v22 =	vor.u32 v1, v19  }
0x5f: {  	v23 =	vor.u32 $0x1, v20;
	_ =	sdelay $0x3  }
0x60: {  	[tilespmem:v22+s9+$0x0] =	vst.idx.msk $0xffff, v21  }
0x61: {  	v21 =	vld.idx.msk [tilespmem:v23+s2+$0x0], $0xffff  }
0x62: {  	v22 =	vor.u32 v4, v19  }
0x63: {  	v23 =	vor.u32 $0x2, v20;
	_ =	sdelay $0x3  }
0x64: {  	[tilespmem:v22+s9+$0x0] =	vst.idx.msk $0xffff, v21  }
0x65: {  	v21 =	vld.idx.msk [tilespmem:v23+s2+$0x0], $0xffff  }
0x66: {  	v22 =	vor.u32 v5, v19  }
0x67: {  	v23 =	vor.u32 $0x3, v20;
	_ =	sdelay $0x3  }
0x68: {  	[tilespmem:v22+s9+$0x0] =	vst.idx.msk $0xffff, v21  }
0x69: {  	v21 =	vld.idx.msk [tilespmem:v23+s2+$0x0], $0xffff  }
0x6a: {  	v22 =	vor.u32 v6, v19  }
0x6b: {  	v23 =	vor.u32 $0x4, v20;
	_ =	sdelay $0x3  }
0x6c: {  	[tilespmem:v22+s9+$0x0] =	vst.idx.msk $0xffff, v21  }
0x6d: {  	v21 =	vld.idx.msk [tilespmem:v23+s2+$0x0], $0xffff  }
0x6e: {  	v22 =	vor.u32 v7, v19  }
0x6f: {  	v23 =	vor.u32 $0x5, v20;
	_ =	sdelay $0x3  }
0x70: {  	[tilespmem:v22+s9+$0x0] =	vst.idx.msk $0xffff, v21  }
0x71: {  	v21 =	vld.idx.msk [tilespmem:v23+s2+$0x0], $0xffff  }
0x72: {  	v22 =	vor.u32 v8, v19  }
0x73: {  	v23 =	vor.u32 $0x6, v20;
	_ =	sdelay $0x3  }
0x74: {  	[tilespmem:v22+s9+$0x0] =	vst.idx.msk $0xffff, v21  }
0x75: {  	v21 =	vld.idx.msk [tilespmem:v23+s2+$0x0], $0xffff  }
0x76: {  	v22 =	vor.u32 v9, v19  }
0x77: {  	v23 =	vor.u32 $0x7, v20;
	_ =	sdelay $0x3  }
0x78: {  	[tilespmem:v22+s9+$0x0] =	vst.idx.msk $0xffff, v21  }
0x79: {  	v21 =	vld.idx.msk [tilespmem:v23+s2+$0x0], $0xffff  }
0x7a: {  	v22 =	vor.u32 v10, v19  }
0x7b: {  	v23 =	vor.u32 $0x8, v20;
	_ =	sdelay $0x3  }
0x7c: {  	[tilespmem:v22+s9+$0x0] =	vst.idx.msk $0xffff, v21  }
0x7d: {  	v21 =	vld.idx.msk [tilespmem:v23+s2+$0x0], $0xffff  }
0x7e: {  	v22 =	vor.u32 v11, v19  }
0x7f: {  	v23 =	vor.u32 $0x9, v20;
	_ =	sdelay $0x3  }
0x80: {  	[tilespmem:v22+s9+$0x0] =	vst.idx.msk $0xffff, v21  }
0x81: {  	v21 =	vld.idx.msk [tilespmem:v23+s2+$0x0], $0xffff  }
0x82: {  	v22 =	vor.u32 v12, v19  }
0x83: {  	v23 =	vor.u32 $0xA, v20;
	_ =	sdelay $0x3  }
0x84: {  	[tilespmem:v22+s9+$0x0] =	vst.idx.msk $0xffff, v21  }
0x85: {  	v21 =	vld.idx.msk [tilespmem:v23+s2+$0x0], $0xffff  }
0x86: {  	v22 =	vor.u32 v13, v19  }
0x87: {  	v23 =	vor.u32 $0xB, v20;
	_ =	sdelay $0x3  }
0x88: {  	[tilespmem:v22+s9+$0x0] =	vst.idx.msk $0xffff, v21  }
0x89: {  	v21 =	vld.idx.msk [tilespmem:v23+s2+$0x0], $0xffff  }
0x8a: {  	v22 =	vor.u32 v14, v19  }
0x8b: {  	v23 =	vor.u32 $0xC, v20;
	_ =	sdelay $0x3  }
0x8c: {  	[tilespmem:v22+s9+$0x0] =	vst.idx.msk $0xffff, v21  }
0x8d: {  	v21 =	vld.idx.msk [tilespmem:v23+s2+$0x0], $0xffff  }
0x8e: {  	v22 =	vor.u32 v15, v19  }
0x8f: {  	v23 =	vor.u32 $0xD, v20;
	_ =	sdelay $0x3  }
0x90: {  	[tilespmem:v22+s9+$0x0] =	vst.idx.msk $0xffff, v21  }
0x91: {  	v21 =	vld.idx.msk [tilespmem:v23+s2+$0x0], $0xffff  }
0x92: {  	v22 =	vor.u32 v16, v19  }
0x93: {  	v23 =	vor.u32 $0xE, v20;
	_ =	sdelay $0x3  }
0x94: {  	[tilespmem:v22+s9+$0x0] =	vst.idx.msk $0xffff, v21  }
0x95: {  	v21 =	vld.idx.msk [tilespmem:v23+s2+$0x0], $0xffff  }
0x96: {  	v22 =	vor.u32 v17, v19  }
0x97: {  	v20 =	vor.u32 $0xF, v20;
	_ =	sdelay $0x3  }
0x98: {  	[tilespmem:v22+s9+$0x0] =	vst.idx.msk $0xffff, v21  }
0x99: {  	v21 =	vld.idx.msk [tilespmem:v20+s2+$0x0], $0xffff  }
.Ltmp0:
0x9a: {  	v22 =	vor.u32 v18, v19;
	v20 =	vor.u32 s13, v0;
	(pc) =	sbr.rel @p0 .LBB2_2-.Ltmp0, $3  }
0x9b: {  	v24 =	vand.u32 v2, v20;
	v19 =	vmulhi.u32 $0xCCCCCCCD, v20;
	v23 =	vsub.s32 $0x0, v20;
	_ =	sdelay $0x1  }
0x9c: {  	v19 =	vshrl.u32 v19, $0x4  }
0x9d: {  	v25 =	vmul.u32 $0xFFFFFFEC, v19  }
0x9e: {  	_ =	sdelay $0x3  }
0x9f: {  	v26 =	vmov s13;
	[tilespmem:v22+s9+$0x0] =	vst.idx.msk $0xffff, v21  }
0xa0: {  	v21 =	vld.idx.msk [tilespmem:v24+s8+$0x0], $0xffff;
	vm0 =	veq.s32 v26, v0;
	vm1 =	vne.s32 v25, v23  }
0xa1: {  	vm0 =	vmand vm0, vm1  }
0xa2: {  	v34 =	vsel vm0, $0xFFFFFFFF, v3  }
0xa3: {  	v19 =	vadd.s32 v34, v19  }
0xa4: {  	v22 =	vmul.u32 $0x1FFFEC, v19  }
0xa5: {  	v21 =	vshll.u32 v21, $0x4  }
0xa6: {  	v20 =	vadd.s32 v20, v22  }
0xa7: {  	v20 =	vshll.u32 v20, $0xB  }
0xa8: {  	v19 =	vshll.u32 v19, $0x6;
	v20 =	vand.u32 $0xFFFFE000, v20  }
0xa9: {  	v19 =	vadd.s32 v19, v20  }
0xaa: {  	v20 =	vld.idx.msk [tilespmem:v21+s2+$0x0], $0xffff;
	v35 =	vor.u32 v1, v19  }
0xab: {  	v36 =	vor.u32 $0x1, v21;
	_ =	sdelay $0x3  }
0xac: {  	[tilespmem:v35+s9+$0x0] =	vst.idx.msk $0xffff, v20  }
0xad: {  	v37 =	vor.u32 v4, v19;
	v20 =	vld.idx.msk [tilespmem:v36+s2+$0x0], $0xffff  }
0xae: {  	v38 =	vor.u32 $0x2, v21;
	_ =	sdelay $0x3  }
0xaf: {  	[tilespmem:v37+s9+$0x0] =	vst.idx.msk $0xffff, v20  }
0xb0: {  	v39 =	vor.u32 v5, v19;
	v20 =	vld.idx.msk [tilespmem:v38+s2+$0x0], $0xffff  }
0xb1: {  	v40 =	vor.u32 $0x3, v21;
	_ =	sdelay $0x3  }
0xb2: {  	[tilespmem:v39+s9+$0x0] =	vst.idx.msk $0xffff, v20  }
0xb3: {  	v41 =	vor.u32 v6, v19;
	v20 =	vld.idx.msk [tilespmem:v40+s2+$0x0], $0xffff  }
0xb4: {  	v42 =	vor.u32 $0x4, v21;
	_ =	sdelay $0x3  }
0xb5: {  	[tilespmem:v41+s9+$0x0] =	vst.idx.msk $0xffff, v20  }
0xb6: {  	v43 =	vor.u32 v7, v19;
	v20 =	vld.idx.msk [tilespmem:v42+s2+$0x0], $0xffff  }
0xb7: {  	v44 =	vor.u32 $0x5, v21;
	_ =	sdelay $0x3  }
0xb8: {  	[tilespmem:v43+s9+$0x0] =	vst.idx.msk $0xffff, v20  }
0xb9: {  	v45 =	vor.u32 v8, v19;
	v20 =	vld.idx.msk [tilespmem:v44+s2+$0x0], $0xffff  }
0xba: {  	v46 =	vor.u32 $0x6, v21;
	_ =	sdelay $0x3  }
0xbb: {  	[tilespmem:v45+s9+$0x0] =	vst.idx.msk $0xffff, v20  }
0xbc: {  	v47 =	vor.u32 v9, v19;
	v20 =	vld.idx.msk [tilespmem:v46+s2+$0x0], $0xffff  }
0xbd: {  	v48 =	vor.u32 $0x7, v21;
	_ =	sdelay $0x3  }
0xbe: {  	[tilespmem:v47+s9+$0x0] =	vst.idx.msk $0xffff, v20  }
0xbf: {  	v49 =	vor.u32 v10, v19;
	v20 =	vld.idx.msk [tilespmem:v48+s2+$0x0], $0xffff  }
0xc0: {  	v50 =	vor.u32 $0x8, v21;
	_ =	sdelay $0x3  }
0xc1: {  	[tilespmem:v49+s9+$0x0] =	vst.idx.msk $0xffff, v20  }
0xc2: {  	v51 =	vor.u32 v11, v19;
	v20 =	vld.idx.msk [tilespmem:v50+s2+$0x0], $0xffff  }
0xc3: {  	v52 =	vor.u32 $0x9, v21;
	_ =	sdelay $0x3  }
0xc4: {  	[tilespmem:v51+s9+$0x0] =	vst.idx.msk $0xffff, v20  }
0xc5: {  	v53 =	vor.u32 v12, v19;
	v20 =	vld.idx.msk [tilespmem:v52+s2+$0x0], $0xffff  }
0xc6: {  	v54 =	vor.u32 $0xA, v21;
	_ =	sdelay $0x3  }
0xc7: {  	[tilespmem:v53+s9+$0x0] =	vst.idx.msk $0xffff, v20  }
0xc8: {  	v55 =	vor.u32 v13, v19;
	v20 =	vld.idx.msk [tilespmem:v54+s2+$0x0], $0xffff  }
0xc9: {  	v56 =	vor.u32 $0xB, v21;
	_ =	sdelay $0x3  }
0xca: {  	[tilespmem:v55+s9+$0x0] =	vst.idx.msk $0xffff, v20  }
0xcb: {  	v57 =	vor.u32 v14, v19;
	v20 =	vld.idx.msk [tilespmem:v56+s2+$0x0], $0xffff  }
0xcc: {  	v58 =	vor.u32 $0xC, v21;
	_ =	sdelay $0x3  }
0xcd: {  	[tilespmem:v57+s9+$0x0] =	vst.idx.msk $0xffff, v20  }
0xce: {  	v59 =	vor.u32 v15, v19;
	v20 =	vld.idx.msk [tilespmem:v58+s2+$0x0], $0xffff  }
0xcf: {  	v60 =	vor.u32 $0xD, v21;
	_ =	sdelay $0x3  }
0xd0: {  	[tilespmem:v59+s9+$0x0] =	vst.idx.msk $0xffff, v20  }
0xd1: {  	v61 =	vor.u32 v16, v19;
	v20 =	vld.idx.msk [tilespmem:v60+s2+$0x0], $0xffff  }
0xd2: {  	v62 =	vor.u32 $0xE, v21;
	_ =	sdelay $0x3  }
0xd3: {  	[tilespmem:v61+s9+$0x0] =	vst.idx.msk $0xffff, v20  }
0xd4: {  	v63 =	vor.u32 v17, v19;
	v20 =	vld.idx.msk [tilespmem:v62+s2+$0x0], $0xffff  }
0xd5: {  	v21 =	vor.u32 $0xF, v21;
	_ =	sdelay $0x3  }
0xd6: {  	[tilespmem:v63+s9+$0x0] =	vst.idx.msk $0xffff, v20  }
0xd7: {  	v19 =	vor.u32 v18, v19;
	v20 =	vld.idx.msk [tilespmem:v21+s2+$0x0], $0xffff;
	_ =	sdelay $0x2  }
0xd8: {  	s12 =	sadd.s32 $0x1, s12  }
0xd9: {  	p0 =	sne.s32 s12, s6  }
.Ltmp1:
0xda: {  	[tilespmem:v19+s9+$0x0] =	vst.idx.msk $0xffff, v20;
	(pc) =	sbr.rel @p0 .LBB2_1-.Ltmp1, $4  }
0xdb: {  	[hbm4b:s5+s10] =	stream.strided.scatter [tilespmem:s9], [sflag:$0x1], $0xA000, s11, s10, $0x38;
	[tilespmem:$0x12A00] =	vst v63  }
0xdc: {  	_ =	swait.ge [sflag:s7], $0xA000  }
0xdd: {  	[sflag:s7] =	ssyncset.done $0x0  }
0xde: {  	[sflag:s7] =	ssyncadd.s32 $0xFFFF6000  }
0xdf: {  	_ =	sfence.sel $0x180000  }
0xe0: {  	[bflag:$0x0] =	sbarrier.arrive $0xFFFF  }
0xe1: {  	p0 =	sne.s32 s1, $0x0;
	_ =	strace $0x9000004A  }
0xe2: {  	s0 =	sadd.s32 @!p0 $0x100000, s0;
	[bflag:$0x2] =	sbarrier.arrive $0xFFFF  }
0xe3: {  	[sflag:s0] =	ssyncadd.tile.s32 @!p0 $0x1;
	_ =	shalt  }
.Lfunc_end2:
_tile_overlayer_lowered:
.L_overlay_start_2:
0xe4: {  	(tag) =	ssettag $0x2  }
0xe5: {  	s0 =	rddreg [dreg:$0x0];
	s2 =	stileid.u32  }
0xe6: {  	s1 =	rddreg [dreg:$0x1];
	p0 =	sne.s32 s2, $0x0  }
0xe7: {  	s3 =	rddreg [dreg:$0x2];
	[bflag:$0x3] =	sbarrier.arrive $0xFFFF;
	s2 =	simm.s32 @!p0 $0x1C01  }
0xe8: {  	[timem:s3], [sflag:s2] =	dma.local @!p0 [hbm:s0], s1  }
0xe9: {  	s0 =	simm.s32 @!p0 $0x1  }
0xea: {  	_ =	swait.ge @!p0 [sflag:s0], s1  }
0xeb: {  	s1 =	ssub.s32 @!p0 $0x0, s1;
	[sflag:s0] =	ssyncset.done @!p0 $0x0  }
0xec: {  	[sflag:s0] =	ssyncadd.s32 @!p0 s1  }
0xed: {  	[bflag:$0x3] =	sbarrier.arrive $0xFFFF  }
0xee: {  	_ =	shalt  }

// kernel: kernel.8.cloned.1.call-start
scs
__scs_entry_jumppad:
0x0: {  	(pc) =	sbr.rel $0x88, $3  }
0x1: {  	(tag) =	ssettag $0x0;
	lr =	simm.s32 $0x1  }
0x2: {  	[smem:$0x3F93] =	sst lr;
	_ =	strace $0xD0000000  }
0x3: {  	_ = 	snop  }
0x4: {  	_ = 	snop  }
0x5: {  	_ = 	snop  }
0x6: {  	_ = 	snop  }
0x7: {  	_ = 	snop  }
__scs_overlays_trampoline_lowered:
0x8: {  	[smem:$0x3FA2] =	sst s0  }
0x9: {  	[smem:$0x3FA3] =	sst s1  }
0xa: {  	[smem:$0x3FA4] =	sst s2  }
0xb: {  	[smem:$0x3FA5] =	sst s3  }
0xc: {  	[smem:$0x3FA6] =	sst s4  }
0xd: {  	[smem:$0x3FA7] =	sst s5  }
0xe: {  	[smem:$0x3FA8] =	sst s6  }
0xf: {  	[smem:$0x3FA9] =	sst s7  }
0x10: {  	[smem:$0x3FAA] =	sst s8  }
0x11: {  	[smem:$0x3FAB] =	sst s9;
	s0 =	simm.s32 @!p0 $0x0  }
0x12: {  	s1 =	sld [smem:$0x3F91];
	s0 =	simm.s32 @p0 $0x1  }
0x13: {  	[smem:$0x3FAC] =	sst s0;
	s0 =	simm.s32 @!p1 $0x0  }
0x14: {  	s2 =	sld [smem:$0x3F90];
	s0 =	simm.s32 @p1 $0x1  }
0x15: {  	[smem:$0x3FAD] =	sst s0;
	s0 =	simm.s32 @!p2 $0x0  }
0x16: {  	s3 =	sld [smem:$0x3FDB];
	s0 =	simm.s32 @p2 $0x1  }
0x17: {  	s4 =	simm.s32 $0x1BF5;
	[smem:$0x3FAF] =	sst s0  }
0x18: {  	s0 =	sld [smem:$0x3F92];
	_ =	swait.ge [sflag:s4], $0x0  }
0x19: {  	s7 =	sld [smem:$0x3F93]  }
0x1a: {  	s8 =	sadd.s32 $0xFFFFE003, lr  }
0x1b: {  	s9 =	sadd.s32 $0xFFFFFEF7, lr;
	s5 =	simm.s32 $0xFFFFFFFF;
	p2 =	slt.u32 s8, $0xFFFFF086  }
0x1c: {  	p1 =	slt.u32 s9, $0xF7A;
	s5 =	simm.s32 @!p2 $0x0  }
0x1d: {  	s5 =	simm.s32 @p1 $0x1;
	p0 =	seq.s32 s7, s2  }
0x1e: {  	s7 =	smul.u32 @!p0 $0xF7A, s2;
	p2 =	seq.s32 @!p0 s5, $0x0  }
0x1f: {  	s9 =	smul.u32 $0xF7A, s1;
	s8 =	simm.s32 @!p0 $0x1BF5;
	p2 =	por !p2, p0  }
0x20: {  	[sflag:s8] =	ssyncset.s32 @!p0 $0xFFFFF086;
	s6 =	sadd.s32 @!p0 s3, s7;
	s7 =	simm.s32 @!p0 $0x108  }
0x21: {  	s3 =	sadd.s32 s3, s9;
	s6 =	sadd.s32 @!p0 $0x88, s6;
	s7 =	simm.s32 @p2 $0x1082  }
0x22: {  	[simem:s7], [sflag:s8] =	dma.local @!p0 [hbm:s6], $0xF7A  }
0x23: {  	s9 =	sor.u32 $0xD0000000, s2;
	s6 =	simm.s32 $0x108;
	_ =	swait.ge @!p0 [sflag:s8], $0x0  }
0x24: {  	s3 =	sadd.s32 $0x88, s3;
	s6 =	simm.s32 @!p1 $0x1082;
	[sflag:s4] =	ssyncset.s32 $0xFFFFF086  }
0x25: {  	[simem:s6], [sflag:s4] =	dma.local [hbm:s3], $0xF7A  }
0x26: {  	[smem:$0x3F93] =	sst s1;
	(tag) =	ssettag s2;
	_ =	strace s9  }
0x27: {  	s1 =	sld [smem:$0x3FA3]  }
0x28: {  	s2 =	sld [smem:$0x3FA4]  }
0x29: {  	s4 =	sld [smem:$0x3FA6]  }
0x2a: {  	p0 =	seq.s32 s5, $0x0;
	s5 =	sld [smem:$0x3FA7]  }
0x2b: {  	s6 =	sld [smem:$0x3FA8]  }
0x2c: {  	s7 =	sld [smem:$0x3FA9]  }
0x2d: {  	s3 =	simm.s32 $0x108;
	s8 =	sld [smem:$0x3FAA]  }
0x2e: {  	s3 =	simm.s32 @!p0 $0x1082;
	s9 =	sld [smem:$0x3FAB]  }
0x2f: {  	lr =	sadd.s32 s0, s3;
	s0 =	sld [smem:$0x3FA2]  }
0x30: {  	s3 =	sld [smem:$0x3FA5]  }
0x31: {  	[smem:$0x3FAE] =	sst s10  }
0x32: {  	s10 =	sld [smem:$0x3FAC];
	_ =	sdelay $0x3  }
0x33: {  	p0 =	seq.s32 s10, $0x1;
	s10 =	sld [smem:$0x3FAE];
	_ =	sdelay $0x3  }
0x34: {  	[smem:$0x3FAE] =	sst s10  }
0x35: {  	s10 =	sld [smem:$0x3FAD];
	_ =	sdelay $0x3  }
0x36: {  	p1 =	seq.s32 s10, $0x1;
	s10 =	sld [smem:$0x3FAE];
	_ =	sdelay $0x3  }
0x37: {  	[smem:$0x3FAE] =	sst s10  }
0x38: {  	s10 =	sld [smem:$0x3FAF]  }
0x39: {  	_ = 	snop;
	(pc) =	sbr.ind lr, $3  }
0x3a: {  	_ = 	snop  }
0x3b: {  	_ = 	snop  }
0x3c: {  	p2 =	seq.s32 s10, $0x1;
	s10 =	sld [smem:$0x3FAE]  }
0x3d: {  	_ =	shalt  }
0x3e: {  	_ =	shalt  }
0x3f: {  	_ =	shalt  }
0x40: {  	_ =	shalt  }
0x41: {  	_ =	shalt  }
0x42: {  	_ =	shalt  }
0x43: {  	_ =	shalt  }
0x44: {  	_ =	shalt  }
0x45: {  	_ =	shalt  }
0x46: {  	_ =	shalt  }
0x47: {  	_ =	shalt  }
0x48: {  	_ =	shalt  }
0x49: {  	_ =	shalt  }
0x4a: {  	_ =	shalt  }
0x4b: {  	_ =	shalt  }
0x4c: {  	_ =	shalt  }
0x4d: {  	_ =	shalt  }
0x4e: {  	_ =	shalt  }
0x4f: {  	_ =	shalt  }
0x50: {  	_ =	shalt  }
0x51: {  	_ =	shalt  }
0x52: {  	_ =	shalt  }
0x53: {  	_ =	shalt  }
0x54: {  	_ =	shalt  }
0x55: {  	_ =	shalt  }
0x56: {  	_ =	shalt  }
0x57: {  	_ =	shalt  }
0x58: {  	_ =	shalt  }
0x59: {  	_ =	shalt  }
0x5a: {  	_ =	shalt  }
0x5b: {  	_ =	shalt  }
0x5c: {  	_ =	shalt  }
0x5d: {  	_ =	shalt  }
0x5e: {  	_ =	shalt  }
0x5f: {  	_ =	shalt  }
0x60: {  	_ =	shalt  }
0x61: {  	_ =	shalt  }
0x62: {  	_ =	shalt  }
0x63: {  	_ =	shalt  }
0x64: {  	_ =	shalt  }
0x65: {  	_ =	shalt  }
0x66: {  	_ =	shalt  }
0x67: {  	_ =	shalt  }
0x68: {  	_ =	shalt  }
0x69: {  	_ =	shalt  }
0x6a: {  	_ =	shalt  }
0x6b: {  	_ =	shalt  }
0x6c: {  	_ =	shalt  }
0x6d: {  	_ =	shalt  }
0x6e: {  	_ =	shalt  }
0x6f: {  	_ =	shalt  }
0x70: {  	_ =	shalt  }
0x71: {  	_ =	shalt  }
0x72: {  	_ =	shalt  }
0x73: {  	_ =	shalt  }
0x74: {  	_ =	shalt  }
0x75: {  	_ =	shalt  }
0x76: {  	_ =	shalt  }
0x77: {  	_ =	shalt  }
0x78: {  	_ =	shalt  }
0x79: {  	_ =	shalt  }
0x7a: {  	_ =	shalt  }
0x7b: {  	_ =	shalt  }
0x7c: {  	_ =	shalt  }
0x7d: {  	_ =	shalt  }
0x7e: {  	_ =	shalt  }
0x7f: {  	_ =	shalt  }
0x80: {  	_ =	shalt  }
0x81: {  	_ =	shalt  }
0x82: {  	_ =	shalt  }
0x83: {  	_ =	shalt  }
0x84: {  	_ =	shalt  }
0x85: {  	_ =	shalt  }
0x86: {  	_ =	shalt  }
0x87: {  	_ =	shalt  }
.Lfunc_end0:
.L_simem_size_0:
called_computation_lowered:
.L_overlay_start_0:
0x88: {  	s2 =	sld [smem:$0x3FD9]  }
0x89: {  	s3 =	sld [smem:$0x3FFE];
	_ =	sdelay $0x1  }
0x8a: {  	s1 =	srdreg.scid  }
0x8b: {  	s0 =	sand.u32 $0x1, s1  }
0x8c: {  	s16 =	sshll.u32 s0, $0xA;
	s2 =	sadd.s32 s3, s2  }
0x8d: {  	s2 =	sadd.s32 s2, s16  }
0x8e: {  	[smem:$0x3FBA] =	sst s2  }
0x8f: {  	_ = 	snop  }
0x90: {  	(tm) =	ssettm $0x1  }
0x91: {  	s17 =	sld [smem:$0x3FFB];
	_ =	sdelay $0x3  }
0x92: {  	_ =	strace s17  }
0x93: {  	s2 =	sld [smem:$0x3FFC];
	_ =	sdelay $0x3  }
0x94: {  	_ =	strace s2  }
0x95: {  	s2 =	sld [smem:$0x3FFD];
	_ =	sdelay $0x3  }
0x96: {  	_ =	strace s2  }
0x97: {  	_ =	strace $0x8FFFFFFF  }
0x98: {  	s18 =	sld [smem:$0x3FDB];
	_ =	sdelay $0x1  }
0x99: {  	s19 =	simm.s32 $_scs_section_size  }
0x9a: {  	s4 =	simm.s32 $_size__tile_overlayer_lowered;
	s5 =	simm.s32 $_tile_overlayer_lowered  }
0x9b: {  	s22 =	simm.s32 $0x1BFF;
	s21 =	sshll.u32 s5, $0x1;
	s2 =	sadd.s32 s19, s18  }
0x9c: {  	s6 =	simm.s32 $0x0;
	s20 =	sshll.u32 s4, $0x1;
	s4 =	sadd.s32 s21, s2  }
0x9d: {  	[timem:s6], [sflag:s22] =	dma.local [hbm:s4], s20  }
0x9e: {  	_ =	swait.ge [sflag:s22], s20  }
0x9f: {  	s3 =	ssub.s32 $0x0, s20;
	[sflag:s22] =	ssyncset.done $0x0  }
0xa0: {  	[sflag:s22] =	ssyncadd.s32 s3;
	_ =	sdelay $0x1  }
0xa1: {  	s23 =	simm.s32 $0x1B8B  }
0xa2: {  	_ =	swait.ge [sflag:s23], $0x1  }
0xa3: {  	[sflag:s23] =	ssyncset.done $0x0  }
0xa4: {  	s25 =	simm.s32 $0x1B8E;
	s24 =	sld [smem:$0x3FFE];
	[sflag:s23] =	ssyncadd.s32 $0xFFFFFFFF  }
0xa5: {  	s26 =	simm.s32 $execute0_lowered;
	[smem:$0x3FD2] =	sst s25  }
0xa6: {  	s4 =	sshll.u32 s26, $0x1;
	_ =	strace $0x80000046;
	[dreg:$0x1] =	wrdreg $0xFFFFFFFF  }
0xa7: {  	s28 =	simm.s32 $_size_execute0_lowered;
	s2 =	sadd.s32 s2, s4;
	[dreg:$0x0] =	wrdreg $0x0  }
0xa8: {  	s4 =	sshll.u32 s28, $0x1;
	[dreg:$0x2] =	wrdreg s2  }
0xa9: {  	[dreg:$0x3] =	wrdreg s4  }
0xaa: {  	[dreg:$0x4] =	wrdreg $0xC0  }
0xab: {  	_ =	task [dreg:s6], $0x5FFFF  }
0xac: {  	[dreg:$0x1] =	wrdreg $0xFFFFFFFF  }
0xad: {  	[dreg:$0x0] =	wrdreg $0x60  }
0xae: {  	[dreg:$0x2] =	wrdreg s24  }
0xaf: {  	[dreg:$0x3] =	wrdreg $0x9  }
0xb0: {  	_ =	task.clear_ibuf [dreg:s6], $0x4FFFF;
	_ =	strace $0x90000046  }
0xb1: {  	s29 =	simm.s32 $0x9;
	_ =	strace $0x80000048  }
0xb2: {  	_ =	swait.ge [sflag:s29], $0x1  }
0xb3: {  	[sflag:s29] =	ssyncadd.s32 $0xFFFFFFFF  }
0xb4: {  	_ =	strace $0x90000048  }
0xb5: {  	_ =	sfence  }
0xb6: {  	s30 =	sld [smem:$0x0];
	_ =	sdelay $0x2  }
0xb7: {  	s31 =	sshll.u32 s1, $0xD;
	s1 =	sshrl.u32 s1, $0x2  }
0xb8: {  	s3 =	sand.u32 $0x4000, s31;
	s1 =	sadd.s32 s1, s30  }
0xb9: {  	s0 =	sor.u32 s3, s0;
	s1 =	sshll.u32 s1, $0x11  }
0xba: {  	s0 =	sor.u32 s1, s0  }
0xbb: {  	s0 =	sadd.s32 $0x8F2B, s0  }
0xbc: {  	[sflag:s0] =	ssyncadd.remote.s32 $0x1  }
0xbd: {  	_ =	sfence.sel $0xFFFF  }
0xbe: {  	[dreg:$0x0] =	wrdreg $0xFFFFFFFF;
	(pc) =	sbr.abs _section_cstart, $3  }
0xbf: {  	[dreg:$0x1] =	wrdreg $0xFFFFFFFF  }
0xc0: {  	_ =	task.clear_ibuf [dreg:s6], $0x2FFFF;
	_ =	strace $0x9FFFFFFF  }
0xc1: {  	(tm) =	ssettm $0x7FFFFFFF  }
tec
execute0_lowered:
.L_overlay_start_1:
0x0: {  	(tag) =	ssettag $0x1  }
0x1: {  	s3 =	rddreg [dreg:$0x0];
	s1 =	stileid.u32  }
0x2: {  	s0 =	rddreg [dreg:$0x1];
	s2 =	srdreg.scid  }
0x3: {  	s10 =	simm.s32 $0x2000;
	s11 =	simm.s32 $0x20000;
	s12 =	simm.s32 $0x0  }
0x4: {  	s4 =	sshll.u32 s1, $0x1;
	s5 =	sshrl.u32 s1, $0x3;
	s6 =	sand.u32 $0x1, s2  }
0x5: {  	v0 =	vlaneseq.u32;
	s2 =	simm.s32 $0x0;
	s4 =	sand.u32 $0xE, s4;
	s7 =	smul.u32 $0xA000, s5  }
0x6: {  	v1 =	vand.u32 $0x3, v0;
	s9 =	sshll.u32 s5, $0xC;
	s5 =	smul.u32 $0xA0000, s5;
	s4 =	sor.u32 s6, s4  }
0x7: {  	[smem:$0x7FF] =	sst s2;
	v1 =	vmul.u32 $0x10, v1;
	s28 =	ssub.s32 $0x2, s6;
	s8 =	smul.u32 $0xA00, s4  }
0x8: {  	v3 =	vimm.s32 $0x0;
	v2 =	vor.u32 $0xFFFFFFF8, v0;
	_ =	strace $0x80000047;
	s9 =	sadd.s32 s9, s3;
	s4 =	sshll.u32 s4, $0xD  }
0x9: {  	s30 =	sshrl.u32 s28, $0x1;
	v4 =	vor.u32 $0x1, v1;
	v5 =	vor.u32 $0x2, v1;
	v6 =	vor.u32 $0x3, v1;
	s4 =	sor.u32 s5, s4;
	s7 =	sadd.s32 s7, s8  }
0xa: {  	v7 =	vor.u32 $0x4, v1;
	v8 =	vor.u32 $0x5, v1;
	v9 =	vor.u32 $0x6, v1;
	s4 =	sshrl.u32 s4, $0x3;
	s8 =	simm.s32 $0x8000;
	s7 =	sshrl.u32 s7, $0x3  }
0xb: {  	v10 =	vor.u32 $0x7, v1;
	v11 =	vor.u32 $0x8, v1;
	v12 =	vor.u32 $0x9, v1;
	s31 =	sadd.s32 s4, s3;
	s29 =	sadd.s32 s7, s3;
	s7 =	ssub.s32 s28, s30  }
0xc: {  	v13 =	vor.u32 $0xA, v1;
	v14 =	vor.u32 $0xB, v1;
	v15 =	vor.u32 $0xC, v1;
	s3 =	sadd.s32 $0x4A00, s9;
	s5 =	sadd.s32 $0x6A00, s31;
	s9 =	simm.s32 $0x8A00  }
0xd: {  	v16 =	vor.u32 $0xD, v1;
	v17 =	vor.u32 $0xE, v1;
	v18 =	vor.u32 $0xF, v1;
	s4 =	sadd.s32 $0x2200, s29;
	s6 =	smax.u32 s7, $0x1;
	s7 =	simm.s32 $0x1  }
.LBB2_1:
0xe: {  	[tilespmem:s2], [sflag:$0x1] =	stream.linear.gather [hbm4b:s3+s2], $0x8000, $0x38;
	[tilespmem:$0x12A00] =	vst v63  }
0xf: {  	_ =	swait.ge [sflag:s7], $0x8000  }
0x10: {  	v19 =	vor.u32 s2, v0;
	[sflag:s7] =	ssyncset.done $0x0  }
0x11: {  	v20 =	vand.u32 v2, v19;
	v21 =	vmulhi.u32 $0xCCCCCCCD, v19;
	[sflag:s7] =	ssyncadd.s32 $0xFFFF8000  }
0x12: {  	[tilespmem:s8], [sflag:$0x1] =	stream.linear.gather [hbm4b:s4+s2], $0xA00, $0x38;
	[tilespmem:$0x12A00] =	vst v63  }
0x13: {  	v21 =	vshrl.u32 v21, $0x4;
	_ =	swait.ge [sflag:s7], $0xA00  }
0x14: {  	v22 =	vmul.u32 $0xFFFFFFEC, v21;
	[sflag:s7] =	ssyncset.done $0x0  }
0x15: {  	v24 =	vmov s2;
	v23 =	vsub.s32 $0x0, v19;
	[sflag:s7] =	ssyncadd.s32 $0xFFFFF600  }
0x16: {  	vm0 =	veq.s32 v24, v0;
	vm1 =	vne.s32 v22, v23;
	v20 =	vld.idx.msk [tilespmem:v20+s8+$0x0], $0xffff  }
0x17: {  	vm0 =	vmand vm0, vm1  }
0x18: {  	v22 =	vsel vm0, $0xFFFFFFFF, v3  }
0x19: {  	v21 =	vadd.s32 v22, v21  }
0x1a: {  	v22 =	vmul.u32 $0x1FFFEC, v21  }
0x1b: {  	v20 =	vshll.u32 v20, $0x4  }
0x1c: {  	v19 =	vadd.s32 v19, v22  }
0x1d: {  	v19 =	vshll.u32 v19, $0xB  }
0x1e: {  	v21 =	vshll.u32 v21, $0x6;
	v19 =	vand.u32 $0xFFFFE000, v19  }
0x1f: {  	v19 =	vadd.s32 v21, v19  }
0x20: {  	v22 =	vor.u32 v1, v19;
	v21 =	vld.idx.msk [tilespmem:v20+s2+$0x0], $0xffff  }
0x21: {  	v23 =	vor.u32 $0x1, v20;
	_ =	sdelay $0x3  }
0x22: {  	[tilespmem:v22+s9+$0x0] =	vst.idx.msk $0xffff, v21  }
0x23: {  	v22 =	vor.u32 v4, v19;
	v21 =	vld.idx.msk [tilespmem:v23+s2+$0x0], $0xffff  }
0x24: {  	v23 =	vor.u32 $0x2, v20;
	_ =	sdelay $0x3  }
0x25: {  	[tilespmem:v22+s9+$0x0] =	vst.idx.msk $0xffff, v21  }
0x26: {  	v22 =	vor.u32 v5, v19;
	v21 =	vld.idx.msk [tilespmem:v23+s2+$0x0], $0xffff  }
0x27: {  	v23 =	vor.u32 $0x3, v20;
	_ =	sdelay $0x3  }
0x28: {  	[tilespmem:v22+s9+$0x0] =	vst.idx.msk $0xffff, v21  }
0x29: {  	v22 =	vor.u32 v6, v19;
	v21 =	vld.idx.msk [tilespmem:v23+s2+$0x0], $0xffff  }
0x2a: {  	v23 =	vor.u32 $0x4, v20;
	_ =	sdelay $0x3  }
0x2b: {  	[tilespmem:v22+s9+$0x0] =	vst.idx.msk $0xffff, v21  }
0x2c: {  	v22 =	vor.u32 v7, v19;
	v21 =	vld.idx.msk [tilespmem:v23+s2+$0x0], $0xffff  }
0x2d: {  	v23 =	vor.u32 $0x5, v20;
	_ =	sdelay $0x3  }
0x2e: {  	[tilespmem:v22+s9+$0x0] =	vst.idx.msk $0xffff, v21  }
0x2f: {  	v22 =	vor.u32 v8, v19;
	v21 =	vld.idx.msk [tilespmem:v23+s2+$0x0], $0xffff  }
0x30: {  	v23 =	vor.u32 $0x6, v20;
	_ =	sdelay $0x3  }
0x31: {  	[tilespmem:v22+s9+$0x0] =	vst.idx.msk $0xffff, v21  }
0x32: {  	v22 =	vor.u32 v9, v19;
	v21 =	vld.idx.msk [tilespmem:v23+s2+$0x0], $0xffff  }
0x33: {  	v23 =	vor.u32 $0x7, v20;
	_ =	sdelay $0x3  }
0x34: {  	[tilespmem:v22+s9+$0x0] =	vst.idx.msk $0xffff, v21  }
0x35: {  	v22 =	vor.u32 v10, v19;
	v21 =	vld.idx.msk [tilespmem:v23+s2+$0x0], $0xffff  }
0x36: {  	v23 =	vor.u32 $0x8, v20;
	_ =	sdelay $0x3  }
0x37: {  	[tilespmem:v22+s9+$0x0] =	vst.idx.msk $0xffff, v21  }
0x38: {  	v22 =	vor.u32 v11, v19;
	v21 =	vld.idx.msk [tilespmem:v23+s2+$0x0], $0xffff  }
0x39: {  	v23 =	vor.u32 $0x9, v20;
	_ =	sdelay $0x3  }
0x3a: {  	[tilespmem:v22+s9+$0x0] =	vst.idx.msk $0xffff, v21  }
0x3b: {  	v22 =	vor.u32 v12, v19;
	v21 =	vld.idx.msk [tilespmem:v23+s2+$0x0], $0xffff  }
0x3c: {  	v23 =	vor.u32 $0xA, v20;
	_ =	sdelay $0x3  }
0x3d: {  	[tilespmem:v22+s9+$0x0] =	vst.idx.msk $0xffff, v21  }
0x3e: {  	v22 =	vor.u32 v13, v19;
	v21 =	vld.idx.msk [tilespmem:v23+s2+$0x0], $0xffff  }
0x3f: {  	v23 =	vor.u32 $0xB, v20;
	_ =	sdelay $0x3  }
0x40: {  	[tilespmem:v22+s9+$0x0] =	vst.idx.msk $0xffff, v21  }
0x41: {  	v22 =	vor.u32 v14, v19;
	v21 =	vld.idx.msk [tilespmem:v23+s2+$0x0], $0xffff  }
0x42: {  	v23 =	vor.u32 $0xC, v20;
	_ =	sdelay $0x3  }
0x43: {  	[tilespmem:v22+s9+$0x0] =	vst.idx.msk $0xffff, v21  }
0x44: {  	v22 =	vor.u32 v15, v19;
	v21 =	vld.idx.msk [tilespmem:v23+s2+$0x0], $0xffff  }
0x45: {  	v23 =	vor.u32 $0xD, v20;
	_ =	sdelay $0x3  }
0x46: {  	[tilespmem:v22+s9+$0x0] =	vst.idx.msk $0xffff, v21  }
0x47: {  	v22 =	vor.u32 v16, v19;
	v21 =	vld.idx.msk [tilespmem:v23+s2+$0x0], $0xffff  }
0x48: {  	v23 =	vor.u32 $0xE, v20;
	_ =	sdelay $0x3  }
0x49: {  	[tilespmem:v22+s9+$0x0] =	vst.idx.msk $0xffff, v21  }
0x4a: {  	v22 =	vor.u32 v17, v19;
	v21 =	vld.idx.msk [tilespmem:v23+s2+$0x0], $0xffff  }
0x4b: {  	v23 =	vor.u32 $0xF, v20;
	_ =	sdelay $0x1  }
0x4c: {  	s13 =	simm.s32 $0x10  }
0x4d: {  	v20 =	vor.u32 s13, v0  }
0x4e: {  	v24 =	vmulhi.u32 $0xCCCCCCCD, v20;
	[tilespmem:v22+s9+$0x0] =	vst.idx.msk $0xffff, v21  }
0x4f: {  	v22 =	vor.u32 v18, v19;
	v21 =	vld.idx.msk [tilespmem:v23+s2+$0x0], $0xffff  }
0x50: {  	v19 =	vshrl.u32 v24, $0x4;
	v24 =	vand.u32 v2, v20;
	_ =	sdelay $0x2  }
0x51: {  	s14 =	simm.s32 $0x20;
	v23 =	vsub.s32 $0x0, v20;
	v25 =	vmul.u32 $0xFFFFFFEC, v19  }
.LBB2_2:
0x52: {  	p0 =	sne.s32 s14, $0x9F0;
	v26 =	vmov s13;
	[tilespmem:v22+s9+$0x0] =	vst.idx.msk $0xffff, v21;
	s13 =	smov.u32 s14;
	s14 =	sadd.s32 $0x10, s14  }
0x53: {  	v21 =	vld.idx.msk [tilespmem:v24+s8+$0x0], $0xffff;
	vm0 =	veq.s32 v26, v0;
	vm1 =	vne.s32 v25, v23  }
0x54: {  	vm0 =	vmand vm0, vm1  }
0x55: {  	v22 =	vsel vm0, $0xFFFFFFFF, v3  }
0x56: {  	v19 =	vadd.s32 v22, v19  }
0x57: {  	v22 =	vmul.u32 $0x1FFFEC, v19;
	_ =	sdelay $0x1  }
0x58: {  	v22 =	vadd.s32 v20, v22;
	v20 =	vshll.u32 v21, $0x4  }
0x59: {  	v21 =	vshll.u32 v22, $0xB  }
0x5a: {  	v19 =	vshll.u32 v19, $0x6;
	v21 =	vand.u32 $0xFFFFE000, v21  }
0x5b: {  	v19 =	vadd.s32 v19, v21;
	_ =	sdelay $0x1  }
0x5c: {  	v21 =	vld.idx.msk [tilespmem:v20+s2+$0x0], $0xffff  }
0x5d: {  	v22 =	vor.u32 v1, v19  }
0x5e: {  	v23 =	vor.u32 $0x1, v20;
	_ =	sdelay $0x3  }
0x5f: {  	[tilespmem:v22+s9+$0x0] =	vst.idx.msk $0xffff, v21  }
0x60: {  	v21 =	vld.idx.msk [tilespmem:v23+s2+$0x0], $0xffff  }
0x61: {  	v22 =	vor.u32 v4, v19  }
0x62: {  	v23 =	vor.u32 $0x2, v20;
	_ =	sdelay $0x3  }
0x63: {  	[tilespmem:v22+s9+$0x0] =	vst.idx.msk $0xffff, v21  }
0x64: {  	v21 =	vld.idx.msk [tilespmem:v23+s2+$0x0], $0xffff  }
0x65: {  	v22 =	vor.u32 v5, v19  }
0x66: {  	v23 =	vor.u32 $0x3, v20;
	_ =	sdelay $0x3  }
0x67: {  	[tilespmem:v22+s9+$0x0] =	vst.idx.msk $0xffff, v21  }
0x68: {  	v21 =	vld.idx.msk [tilespmem:v23+s2+$0x0], $0xffff  }
0x69: {  	v22 =	vor.u32 v6, v19  }
0x6a: {  	v23 =	vor.u32 $0x4, v20;
	_ =	sdelay $0x3  }
0x6b: {  	[tilespmem:v22+s9+$0x0] =	vst.idx.msk $0xffff, v21  }
0x6c: {  	v21 =	vld.idx.msk [tilespmem:v23+s2+$0x0], $0xffff  }
0x6d: {  	v22 =	vor.u32 v7, v19  }
0x6e: {  	v23 =	vor.u32 $0x5, v20;
	_ =	sdelay $0x3  }
0x6f: {  	[tilespmem:v22+s9+$0x0] =	vst.idx.msk $0xffff, v21  }
0x70: {  	v21 =	vld.idx.msk [tilespmem:v23+s2+$0x0], $0xffff  }
0x71: {  	v22 =	vor.u32 v8, v19  }
0x72: {  	v23 =	vor.u32 $0x6, v20;
	_ =	sdelay $0x3  }
0x73: {  	[tilespmem:v22+s9+$0x0] =	vst.idx.msk $0xffff, v21  }
0x74: {  	v21 =	vld.idx.msk [tilespmem:v23+s2+$0x0], $0xffff  }
0x75: {  	v22 =	vor.u32 v9, v19  }
0x76: {  	v23 =	vor.u32 $0x7, v20;
	_ =	sdelay $0x3  }
0x77: {  	[tilespmem:v22+s9+$0x0] =	vst.idx.msk $0xffff, v21  }
0x78: {  	v21 =	vld.idx.msk [tilespmem:v23+s2+$0x0], $0xffff  }
0x79: {  	v22 =	vor.u32 v10, v19  }
0x7a: {  	v23 =	vor.u32 $0x8, v20;
	_ =	sdelay $0x3  }
0x7b: {  	[tilespmem:v22+s9+$0x0] =	vst.idx.msk $0xffff, v21  }
0x7c: {  	v21 =	vld.idx.msk [tilespmem:v23+s2+$0x0], $0xffff  }
0x7d: {  	v22 =	vor.u32 v11, v19  }
0x7e: {  	v23 =	vor.u32 $0x9, v20;
	_ =	sdelay $0x3  }
0x7f: {  	[tilespmem:v22+s9+$0x0] =	vst.idx.msk $0xffff, v21  }
0x80: {  	v21 =	vld.idx.msk [tilespmem:v23+s2+$0x0], $0xffff  }
0x81: {  	v22 =	vor.u32 v12, v19  }
0x82: {  	v23 =	vor.u32 $0xA, v20;
	_ =	sdelay $0x3  }
0x83: {  	[tilespmem:v22+s9+$0x0] =	vst.idx.msk $0xffff, v21  }
0x84: {  	v21 =	vld.idx.msk [tilespmem:v23+s2+$0x0], $0xffff  }
0x85: {  	v22 =	vor.u32 v13, v19  }
0x86: {  	v23 =	vor.u32 $0xB, v20;
	_ =	sdelay $0x3  }
0x87: {  	[tilespmem:v22+s9+$0x0] =	vst.idx.msk $0xffff, v21  }
0x88: {  	v21 =	vld.idx.msk [tilespmem:v23+s2+$0x0], $0xffff  }
0x89: {  	v22 =	vor.u32 v14, v19  }
0x8a: {  	v23 =	vor.u32 $0xC, v20;
	_ =	sdelay $0x3  }
0x8b: {  	[tilespmem:v22+s9+$0x0] =	vst.idx.msk $0xffff, v21  }
0x8c: {  	v21 =	vld.idx.msk [tilespmem:v23+s2+$0x0], $0xffff  }
0x8d: {  	v22 =	vor.u32 v15, v19  }
0x8e: {  	v23 =	vor.u32 $0xD, v20;
	_ =	sdelay $0x3  }
0x8f: {  	[tilespmem:v22+s9+$0x0] =	vst.idx.msk $0xffff, v21  }
0x90: {  	v21 =	vld.idx.msk [tilespmem:v23+s2+$0x0], $0xffff  }
0x91: {  	v22 =	vor.u32 v16, v19  }
0x92: {  	v23 =	vor.u32 $0xE, v20;
	_ =	sdelay $0x3  }
0x93: {  	[tilespmem:v22+s9+$0x0] =	vst.idx.msk $0xffff, v21  }
0x94: {  	v21 =	vld.idx.msk [tilespmem:v23+s2+$0x0], $0xffff  }
0x95: {  	v22 =	vor.u32 v17, v19  }
0x96: {  	v20 =	vor.u32 $0xF, v20;
	_ =	sdelay $0x3  }
0x97: {  	[tilespmem:v22+s9+$0x0] =	vst.idx.msk $0xffff, v21  }
0x98: {  	v21 =	vld.idx.msk [tilespmem:v20+s2+$0x0], $0xffff  }
.Ltmp0:
0x99: {  	v22 =	vor.u32 v18, v19;
	v20 =	vor.u32 s13, v0;
	(pc) =	sbr.rel @p0 .LBB2_2-.Ltmp0, $3  }
0x9a: {  	v24 =	vand.u32 v2, v20;
	v19 =	vmulhi.u32 $0xCCCCCCCD, v20;
	v23 =	vsub.s32 $0x0, v20;
	_ =	sdelay $0x1  }
0x9b: {  	v19 =	vshrl.u32 v19, $0x4  }
0x9c: {  	v25 =	vmul.u32 $0xFFFFFFEC, v19  }
0x9d: {  	_ =	sdelay $0x3  }
0x9e: {  	v26 =	vmov s13;
	[tilespmem:v22+s9+$0x0] =	vst.idx.msk $0xffff, v21  }
0x9f: {  	v21 =	vld.idx.msk [tilespmem:v24+s8+$0x0], $0xffff;
	vm0 =	veq.s32 v26, v0;
	vm1 =	vne.s32 v25, v23  }
0xa0: {  	vm0 =	vmand vm0, vm1  }
0xa1: {  	v34 =	vsel vm0, $0xFFFFFFFF, v3  }
0xa2: {  	v19 =	vadd.s32 v34, v19  }
0xa3: {  	v22 =	vmul.u32 $0x1FFFEC, v19  }
0xa4: {  	v21 =	vshll.u32 v21, $0x4  }
0xa5: {  	v20 =	vadd.s32 v20, v22  }
0xa6: {  	v20 =	vshll.u32 v20, $0xB  }
0xa7: {  	v19 =	vshll.u32 v19, $0x6;
	v20 =	vand.u32 $0xFFFFE000, v20  }
0xa8: {  	v19 =	vadd.s32 v19, v20  }
0xa9: {  	v20 =	vld.idx.msk [tilespmem:v21+s2+$0x0], $0xffff;
	v35 =	vor.u32 v1, v19  }
0xaa: {  	v36 =	vor.u32 $0x1, v21;
	_ =	sdelay $0x3  }
0xab: {  	[tilespmem:v35+s9+$0x0] =	vst.idx.msk $0xffff, v20  }
0xac: {  	v37 =	vor.u32 v4, v19;
	v20 =	vld.idx.msk [tilespmem:v36+s2+$0x0], $0xffff  }
0xad: {  	v38 =	vor.u32 $0x2, v21;
	_ =	sdelay $0x3  }
0xae: {  	[tilespmem:v37+s9+$0x0] =	vst.idx.msk $0xffff, v20  }
0xaf: {  	v39 =	vor.u32 v5, v19;
	v20 =	vld.idx.msk [tilespmem:v38+s2+$0x0], $0xffff  }
0xb0: {  	v40 =	vor.u32 $0x3, v21;
	_ =	sdelay $0x3  }
0xb1: {  	[tilespmem:v39+s9+$0x0] =	vst.idx.msk $0xffff, v20  }
0xb2: {  	v41 =	vor.u32 v6, v19;
	v20 =	vld.idx.msk [tilespmem:v40+s2+$0x0], $0xffff  }
0xb3: {  	v42 =	vor.u32 $0x4, v21;
	_ =	sdelay $0x3  }
0xb4: {  	[tilespmem:v41+s9+$0x0] =	vst.idx.msk $0xffff, v20  }
0xb5: {  	v43 =	vor.u32 v7, v19;
	v20 =	vld.idx.msk [tilespmem:v42+s2+$0x0], $0xffff  }
0xb6: {  	v44 =	vor.u32 $0x5, v21;
	_ =	sdelay $0x3  }
0xb7: {  	[tilespmem:v43+s9+$0x0] =	vst.idx.msk $0xffff, v20  }
0xb8: {  	v45 =	vor.u32 v8, v19;
	v20 =	vld.idx.msk [tilespmem:v44+s2+$0x0], $0xffff  }
0xb9: {  	v46 =	vor.u32 $0x6, v21;
	_ =	sdelay $0x3  }
0xba: {  	[tilespmem:v45+s9+$0x0] =	vst.idx.msk $0xffff, v20  }
0xbb: {  	v47 =	vor.u32 v9, v19;
	v20 =	vld.idx.msk [tilespmem:v46+s2+$0x0], $0xffff  }
0xbc: {  	v48 =	vor.u32 $0x7, v21;
	_ =	sdelay $0x3  }
0xbd: {  	[tilespmem:v47+s9+$0x0] =	vst.idx.msk $0xffff, v20  }
0xbe: {  	v49 =	vor.u32 v10, v19;
	v20 =	vld.idx.msk [tilespmem:v48+s2+$0x0], $0xffff  }
0xbf: {  	v50 =	vor.u32 $0x8, v21;
	_ =	sdelay $0x3  }
0xc0: {  	[tilespmem:v49+s9+$0x0] =	vst.idx.msk $0xffff, v20  }
0xc1: {  	v51 =	vor.u32 v11, v19;
	v20 =	vld.idx.msk [tilespmem:v50+s2+$0x0], $0xffff  }
0xc2: {  	v52 =	vor.u32 $0x9, v21;
	_ =	sdelay $0x3  }
0xc3: {  	[tilespmem:v51+s9+$0x0] =	vst.idx.msk $0xffff, v20  }
0xc4: {  	v53 =	vor.u32 v12, v19;
	v20 =	vld.idx.msk [tilespmem:v52+s2+$0x0], $0xffff  }
0xc5: {  	v54 =	vor.u32 $0xA, v21;
	_ =	sdelay $0x3  }
0xc6: {  	[tilespmem:v53+s9+$0x0] =	vst.idx.msk $0xffff, v20  }
0xc7: {  	v55 =	vor.u32 v13, v19;
	v20 =	vld.idx.msk [tilespmem:v54+s2+$0x0], $0xffff  }
0xc8: {  	v56 =	vor.u32 $0xB, v21;
	_ =	sdelay $0x3  }
0xc9: {  	[tilespmem:v55+s9+$0x0] =	vst.idx.msk $0xffff, v20  }
0xca: {  	v57 =	vor.u32 v14, v19;
	v20 =	vld.idx.msk [tilespmem:v56+s2+$0x0], $0xffff  }
0xcb: {  	v58 =	vor.u32 $0xC, v21;
	_ =	sdelay $0x3  }
0xcc: {  	[tilespmem:v57+s9+$0x0] =	vst.idx.msk $0xffff, v20  }
0xcd: {  	v59 =	vor.u32 v15, v19;
	v20 =	vld.idx.msk [tilespmem:v58+s2+$0x0], $0xffff  }
0xce: {  	v60 =	vor.u32 $0xD, v21;
	_ =	sdelay $0x3  }
0xcf: {  	[tilespmem:v59+s9+$0x0] =	vst.idx.msk $0xffff, v20  }
0xd0: {  	v61 =	vor.u32 v16, v19;
	v20 =	vld.idx.msk [tilespmem:v60+s2+$0x0], $0xffff  }
0xd1: {  	v62 =	vor.u32 $0xE, v21;
	_ =	sdelay $0x3  }
0xd2: {  	[tilespmem:v61+s9+$0x0] =	vst.idx.msk $0xffff, v20  }
0xd3: {  	v63 =	vor.u32 v17, v19;
	v20 =	vld.idx.msk [tilespmem:v62+s2+$0x0], $0xffff  }
0xd4: {  	v21 =	vor.u32 $0xF, v21;
	_ =	sdelay $0x3  }
0xd5: {  	[tilespmem:v63+s9+$0x0] =	vst.idx.msk $0xffff, v20  }
0xd6: {  	v19 =	vor.u32 v18, v19;
	v20 =	vld.idx.msk [tilespmem:v21+s2+$0x0], $0xffff;
	_ =	sdelay $0x2  }
0xd7: {  	s12 =	sadd.s32 $0x1, s12  }
0xd8: {  	p0 =	sne.s32 s12, s6  }
.Ltmp1:
0xd9: {  	[tilespmem:v19+s9+$0x0] =	vst.idx.msk $0xffff, v20;
	(pc) =	sbr.rel @p0 .LBB2_1-.Ltmp1, $4  }
0xda: {  	[hbm4b:s5+s10] =	stream.strided.scatter [tilespmem:s9], [sflag:$0x1], $0xA000, s11, s10, $0x38;
	[tilespmem:$0x12A00] =	vst v63  }
0xdb: {  	_ =	swait.ge [sflag:s7], $0xA000  }
0xdc: {  	[sflag:s7] =	ssyncset.done $0x0  }
0xdd: {  	[sflag:s7] =	ssyncadd.s32 $0xFFFF6000  }
0xde: {  	_ =	sfence.sel $0x180000  }
0xdf: {  	[bflag:$0x0] =	sbarrier.arrive $0xFFFF  }
0xe0: {  	p0 =	sne.s32 s1, $0x0;
	_ =	strace $0x90000047  }
0xe1: {  	s0 =	sadd.s32 @!p0 $0x100000, s0;
	[bflag:$0x2] =	sbarrier.arrive $0xFFFF  }
0xe2: {  	[sflag:s0] =	ssyncadd.tile.s32 @!p0 $0x1;
	_ =	shalt  }
.Lfunc_end2:
_tile_overlayer_lowered:
.L_overlay_start_2:
0xe3: {  	(tag) =	ssettag $0x2  }
0xe4: {  	s0 =	rddreg [dreg:$0x0];
	s2 =	stileid.u32  }
0xe5: {  	s1 =	rddreg [dreg:$0x1];
	p0 =	sne.s32 s2, $0x0  }
0xe6: {  	s3 =	rddreg [dreg:$0x2];
	[bflag:$0x3] =	sbarrier.arrive $0xFFFF;
	s2 =	simm.s32 @!p0 $0x1C01  }
0xe7: {  	[timem:s3], [sflag:s2] =	dma.local @!p0 [hbm:s0], s1  }
0xe8: {  	s0 =	simm.s32 @!p0 $0x1  }
0xe9: {  	_ =	swait.ge @!p0 [sflag:s0], s1  }
0xea: {  	s1 =	ssub.s32 @!p0 $0x0, s1;
	[sflag:s0] =	ssyncset.done @!p0 $0x0  }
0xeb: {  	[sflag:s0] =	ssyncadd.s32 @!p0 s1  }
0xec: {  	[bflag:$0x3] =	sbarrier.arrive $0xFFFF  }
0xed: {  	_ =	shalt  }

</sc_bundles>
